<compile_context>
chip_gen: v7x
topology: tpu7x:2x2x1
jax: 0.10.2.dev20260603
libtpu: 0.0.44.dev20260713+nightly
codegen_flags: <defaults>
</compile_context>

<pallas_src>
import functools

import jax
import jax.numpy as jnp
from jax import lax
from jax.experimental import pallas as pl
from jax.experimental.pallas import tpu as pltpu
from jax.experimental.pallas import tpu_sc as plsc

_NPOINT = 512
_RADIUS = 0.2
_NSAMPLE = 32

_SC_NC = 2
_SC_NS = 16
_SC_NW = _SC_NC * _SC_NS
_GCHUNK = 128
_TDIM = 128
_FDIM = 128
_NBUF = 4


def _fps_body(xyz_ref, nx_ref):
    B, _, N = xyz_ref.shape
    iota = lax.broadcasted_iota(jnp.int32, (B, N), 1)
    io_s = lax.broadcasted_iota(jnp.int32, (B, _NPOINT), 1)
    x0 = xyz_ref[:, 0, :]
    x1 = xyz_ref[:, 1, :]
    x2 = xyz_ref[:, 2, :]

    def body(i, carry):
        dist_acc, far, nx0, nx1, nx2 = carry
        oh = (iota == far).astype(jnp.float32)
        c0 = jnp.sum(x0 * oh, axis=1, keepdims=True)
        c1 = jnp.sum(x1 * oh, axis=1, keepdims=True)
        c2 = jnp.sum(x2 * oh, axis=1, keepdims=True)
        hit = io_s == i
        nx0 = jnp.where(hit, c0, nx0)
        nx1 = jnp.where(hit, c1, nx1)
        nx2 = jnp.where(hit, c2, nx2)
        d0 = x0 - c0
        d1 = x1 - c1
        d2 = x2 - c2
        d = (d0 * d0 + d1 * d1) + d2 * d2
        dist_acc = jnp.minimum(dist_acc, d)
        m = jnp.max(dist_acc, axis=1, keepdims=True)
        sel = jnp.where(dist_acc == m, iota, N)
        far = jnp.min(sel, axis=1, keepdims=True).astype(jnp.int32)
        return dist_acc, far, nx0, nx1, nx2

    zs = jnp.zeros((B, _NPOINT), dtype=jnp.float32)
    init = (jnp.full((B, N), 1e10, dtype=jnp.float32),
            jnp.zeros((B, 1), dtype=jnp.int32), zs, zs, zs)
    _, _, nx0, nx1, nx2 = lax.fori_loop(0, _NPOINT, body, init)
    nx_ref[:, 0, :] = nx0
    nx_ref[:, 1, :] = nx1
    nx_ref[:, 2, :] = nx2


def _fps(xyz):
    B, _, N = xyz.shape
    return pl.pallas_call(
        _fps_body,
        out_shape=jax.ShapeDtypeStruct((B, 3, _NPOINT), jnp.float32),
    )(xyz)


def _bq_body(xyz_ref, nxp_ref, gid_ref):
    _, _, N = xyz_ref.shape
    S = nxp_ref.shape[1]
    b = pl.program_id(0)
    x0 = xyz_ref[:, 0, :]
    x1 = xyz_ref[:, 1, :]
    x2 = xyz_ref[:, 2, :]
    cb = nxp_ref[0]
    c0 = cb[:, 0:1]
    c1 = cb[:, 1:2]
    c2 = cb[:, 2:3]
    sqx = (x0 * x0 + x1 * x1) + x2 * x2
    sqc = (c0 * c0 + c1 * c1) + c2 * c2
    bfr = lambda v: v.astype(jnp.bfloat16).astype(jnp.float32)
    dot = (bfr(c0) * bfr(x0) + bfr(c1) * bfr(x1)) + bfr(c2) * bfr(x2)
    sqd = sqc + sqx - 2.0 * dot
    mask = sqd <= jnp.float32(_RADIUS * _RADIUS)
    iota = lax.broadcasted_iota(jnp.int32, (1, N), 1)
    iota = jnp.broadcast_to(iota, mask.shape)
    big = jnp.int32(N)
    base = b * jnp.int32(N)

    mio = jnp.where(mask, iota, big)
    first = jnp.min(mio, axis=1, keepdims=True)
    prev = first
    cols = [first + base]
    for k in range(1, _NSAMPLE):
        cand = jnp.where(mio > prev, mio, big)
        cur = jnp.min(cand, axis=1, keepdims=True)
        cols.append(jnp.where(cur >= big, first, cur) + base)
        prev = cur
    gid_ref[0] = jnp.concatenate(cols, axis=1)


def _ballquery(xyz, nxp):
    B, _, N = xyz.shape
    S = nxp.shape[1]
    return pl.pallas_call(
        _bq_body,
        grid=(B,),
        in_specs=[
            pl.BlockSpec((1, 3, N), lambda b: (b, 0, 0)),
            pl.BlockSpec((1, S, 16), lambda b: (b, 0, 0)),
        ],
        out_specs=pl.BlockSpec((1, S, _NSAMPLE), lambda b: (b, 0, 0)),
        out_shape=jax.ShapeDtypeStruct((B, S, _NSAMPLE), jnp.int32),
    )(xyz, nxp)


def _sc_gather(table, ids3):
    R = ids3.shape[0] * ids3.shape[1] * ids3.shape[2]
    rows_per_w = R // _SC_NW
    nchunk = rows_per_w // _GCHUNK
    nrounds = nchunk // _NBUF
    mesh = plsc.VectorSubcoreMesh(core_axis_name="c", subcore_axis_name="s")

    @functools.partial(
        pl.kernel,
        mesh=mesh,
        out_type=jax.ShapeDtypeStruct((R, _FDIM), jnp.float32),
        scratch_types=[
            pltpu.VMEM((nchunk, _GCHUNK), jnp.int32),
            [pltpu.VMEM((_GCHUNK, _TDIM), jnp.float32)] * _NBUF,
            pltpu.SemaphoreType.DMA((_NBUF,)),
            pltpu.SemaphoreType.DMA((_NBUF,)),
        ],
    )
    def k(table_hbm, ids_hbm, out_hbm, idx_v, bufs, gsem, osem):
        wid = lax.axis_index("s") * _SC_NC + lax.axis_index("c")
        pltpu.sync_copy(ids_hbm.at[wid], idx_v)
        base = wid * rows_per_w

        def g_copy(j, b):
            return pltpu.make_async_copy(
                table_hbm.at[idx_v.at[j]], bufs[b], gsem.at[b])

        def o_copy(j, b):
            return pltpu.make_async_copy(
                bufs[b],
                out_hbm.at[pl.ds(base + j * _GCHUNK, _GCHUNK)], osem.at[b])

        for b in range(_NBUF):
            g_copy(b, b).start()

        def round_(t, carry):
            for b in range(_NBUF):
                j = t * _NBUF + b
                g_copy(j, b).wait()
                o_copy(j, b).start()
            for b in range(_NBUF):
                j = t * _NBUF + b
                o_copy(j, b).wait()

                @pl.when(t < nrounds - 1)
                def _(b=b, j=j):
                    g_copy(j + _NBUF, b).start()
            return carry

        lax.fori_loop(0, nrounds, round_, 0)

    return k(table, ids3)


def _mlp_body(g_ref, cb_ref, w1_ref, w1x_ref, b1_ref, w2_ref, b2_ref,
              w3_ref, b3_ref, out_ref):
    SB = out_ref.shape[0]
    K = _NSAMPLE
    g = g_ref[...]
    off = jnp.dot(cb_ref[...], w1x_ref[...],
                  preferred_element_type=jnp.float32)
    h = jnp.dot(g, w1_ref[...], preferred_element_type=jnp.float32)
    h = h + b1_ref[...]
    h = h.reshape(SB, K, h.shape[-1]) - off[:, None, :]
    h = jnp.maximum(h, 0.0).reshape(SB * K, -1)
    h = jnp.dot(h, w2_ref[...], preferred_element_type=jnp.float32)
    h = jnp.maximum(h + b2_ref[...], 0.0)
    h = jnp.dot(h, w3_ref[...], preferred_element_type=jnp.float32)
    h = jnp.maximum(h + b3_ref[...], 0.0)
    out_ref[...] = jnp.max(h.reshape(SB, K, h.shape[-1]), axis=1)


def _mlp(grows, cbflat, w1t, w1xt, b1, w2t, b2, w3t, b3, sblk=64):
    R = grows.shape[0]
    BS = cbflat.shape[0]
    nblk = BS // sblk
    co = w3t.shape[1]
    full = lambda shape: pl.BlockSpec(shape, lambda r: tuple(0 for _ in shape))
    return pl.pallas_call(
        _mlp_body,
        grid=(nblk,),
        in_specs=[
            pl.BlockSpec((sblk * _NSAMPLE, _FDIM), lambda r: (r, 0)),
            pl.BlockSpec((sblk, 16), lambda r: (r, 0)),
            full(w1t.shape),
            full(w1xt.shape),
            full(b1.shape),
            full(w2t.shape),
            full(b2.shape),
            full(w3t.shape),
            full(b3.shape),
        ],
        out_specs=pl.BlockSpec((sblk, co), lambda r: (r, 0)),
        out_shape=jax.ShapeDtypeStruct((BS, co), jnp.float32),
    )(grows, cbflat, w1t, w1xt, b1, w2t, b2, w3t, b3)


def kernel(xyz, points, W0, b0, g0, be0, W1, b1, g1, be1, W2, b2, g2, be2):
    B, _, N = xyz.shape
    D = points.shape[1]
    S = _NPOINT

    inv = 1.0 / jnp.sqrt(jnp.float32(1.0 + 1e-5))
    def fold(W, b, g, be):
        sc = inv * g
        return W * sc[:, None], b * sc + be
    Wf0, bf0 = fold(W0, b0, g0, be0)
    Wf1, bf1 = fold(W1, b1, g1, be1)
    Wf2, bf2 = fold(W2, b2, g2, be2)

    nx = _fps(xyz)

    nxt = jnp.transpose(nx, (0, 2, 1))
    nxp = jnp.concatenate(
        [nxt, jnp.zeros((B, S, 13), jnp.float32)], axis=-1)

    gids = _ballquery(xyz, nxp)
    ids3 = gids.reshape(_SC_NW, -1, _GCHUNK)

    xyz_t = jnp.transpose(xyz, (0, 2, 1))
    pts_t = jnp.transpose(points, (0, 2, 1))
    table = jnp.concatenate(
        [xyz_t, pts_t, jnp.zeros((B, N, _TDIM - 3 - D), jnp.float32)],
        axis=-1).reshape(B * N, _TDIM)

    grows = _sc_gather(table, ids3)

    w1t = jnp.zeros((_FDIM, Wf0.shape[0]), jnp.float32)
    w1t = w1t.at[:3 + D, :].set(Wf0.T)
    w1xt = jnp.zeros((16, Wf0.shape[0]), jnp.float32)
    w1xt = w1xt.at[:3, :].set(Wf0[:, :3].T)

    out = _mlp(grows, nxp.reshape(B * S, 16),
               w1t, w1xt, bf0.reshape(1, -1),
               Wf1.T, bf1.reshape(1, -1),
               Wf2.T, bf2.reshape(1, -1))

    new_points = jnp.transpose(out.reshape(B, S, -1), (0, 2, 1))
    return nx, new_points

# --- scband reference (transcript-rebuilt; emitter-appended) ---
"""Pipeline reference for scband-point-net-set-abstraction-42185168781351 (READ-ONLY COPY).

The authoritative reference and input builder live on the scoring server;
editing this copy changes nothing except your own understanding.
"""

import jax, jax.numpy as jnp
import numpy as np

NPOINT = 512
RADIUS = 0.2
NSAMPLE = 32
MLP = [64, 64, 128]


def square_distance(src, dst):
    return (jnp.sum(src ** 2, -1)[:, :, None]
            + jnp.sum(dst ** 2, -1)[:, None, :]
            - 2.0 * jnp.einsum('bnc,bmc->bnm', src, dst))


def index_points(points, idx):
    B = points.shape[0]
    batch = jnp.arange(B).reshape((B,) + (1,) * (idx.ndim - 1))
    return points[batch, idx]


def farthest_point_sample(xyz, npoint):
    B, N, _ = xyz.shape
    def body(i, state):
        distance, farthest, centroids = state
        centroids = centroids.at[:, i].set(farthest)
        centroid = xyz[jnp.arange(B), farthest][:, None, :]
        dist = jnp.sum((xyz - centroid) ** 2, -1)
        distance = jnp.minimum(distance, dist)
        farthest = jnp.argmax(distance, -1).astype(jnp.int32)
        return (distance, farthest, centroids)
    init = (jnp.full((B, N), 1e10, dtype=jnp.float32),
            jnp.zeros((B,), dtype=jnp.int32),
            jnp.zeros((B, npoint), dtype=jnp.int32))
    _, _, centroids = jax.lax.fori_loop(0, npoint, body, init)
    return centroids


def query_ball_point(radius, nsample, xyz, new_xyz):
    B, N, _ = xyz.shape
    S = new_xyz.shape[1]
    sqrdists = square_distance(new_xyz, xyz)
    group_idx = jnp.broadcast_to(jnp.arange(N, dtype=jnp.int32), (B, S, N))
    group_idx = jnp.where(sqrdists > radius ** 2, jnp.int32(N), group_idx)
    group_idx = jnp.sort(group_idx, axis=-1)[:, :, :nsample]
    group_first = group_idx[:, :, 0:1]
    group_idx = jnp.where(group_idx == N, group_first, group_idx)
    return group_idx


def setup_inputs(seed: int = 0):
    key = jax.random.key(seed)
    ks = jax.random.split(key, 8)
    B, N, D = 8, 2048, 64
    inp = {
        'xyz': jax.random.uniform(ks[0], (B, 3, N), dtype=jnp.float32),
        'points': jax.random.normal(ks[1], (B, D, N), dtype=jnp.float32),
    }
    last = 3 + D
    for i, out in enumerate(MLP):
        inp['W%d' % i] = jax.random.normal(ks[2 + i], (out, last), dtype=jnp.float32) * (1.0 / np.sqrt(last))
        inp['b%d' % i] = jnp.zeros((out,), dtype=jnp.float32)
        inp['g%d' % i] = jnp.ones((out,), dtype=jnp.float32)
        inp['be%d' % i] = jnp.zeros((out,), dtype=jnp.float32)
        last = out
    return inp


def reference(xyz, points, W0, b0, g0, be0, W1, b1, g1, be1, W2, b2, g2, be2):
    xyz_t = jnp.transpose(xyz, (0, 2, 1))
    pts_t = jnp.transpose(points, (0, 2, 1))
    fps_idx = farthest_point_sample(xyz_t, NPOINT)
    new_xyz = index_points(xyz_t, fps_idx)
    idx = query_ball_point(RADIUS, NSAMPLE, xyz_t, new_xyz)
    grouped_xyz = index_points(xyz_t, idx)
    grouped_xyz_norm = grouped_xyz - new_xyz[:, :, None, :]
    grouped_points = index_points(pts_t, idx)
    new_points = jnp.concatenate([grouped_xyz_norm, grouped_points], axis=-1)
    x = jnp.transpose(new_points, (0, 3, 2, 1))
    inv = 1.0 / jnp.sqrt(1.0 + 1e-5)
    for W, b, g, be in ((W0, b0, g0, be0), (W1, b1, g1, be1), (W2, b2, g2, be2)):
        x = jnp.einsum('oc,bcns->bons', W, x) + b[None, :, None, None]
        x = (x * inv) * g[None, :, None, None] + be[None, :, None, None]
        x = jax.nn.relu(x)
    new_points_out = jnp.max(x, axis=2)
    new_xyz_out = jnp.transpose(new_xyz, (0, 2, 1))
    return new_xyz_out, new_points_out

if __name__ == "__main__":
    import jax
    _d = setup_inputs()
    print(jax.jit(kernel)(*tuple(_d.values())))

</pallas_src>

<mosaic_0001>
#map = affine_map<(d0, d1) -> (0, 0)>
#map1 = affine_map<(d0, d1) -> (0, 0, 0)>
module attributes {stable_mosaic.version = 14 : i64} {
  func.func @k(%arg0: i32, %arg1: i32, %arg2: memref<16384x128xf32, #tpu.memory_space<hbm>>, %arg3: memref<32x32x128xi32, #tpu.memory_space<hbm>>, %arg4: memref<131072x128xf32, #tpu.memory_space<hbm>>, %arg5: memref<32x128xi32, #tpu.memory_space<vmem>>, %arg6: memref<128x128xf32, #tpu.memory_space<vmem>>, %arg7: memref<128x128xf32, #tpu.memory_space<vmem>>, %arg8: memref<128x128xf32, #tpu.memory_space<vmem>>, %arg9: memref<128x128xf32, #tpu.memory_space<vmem>>, %arg10: memref<4x!tpu.dma_semaphore, #tpu.memory_space<semaphore_mem>>, %arg11: memref<4x!tpu.dma_semaphore, #tpu.memory_space<semaphore_mem>>) attributes {dimension_semantics = [#tpu.dimension_semantics<core_parallel>, #tpu.dimension_semantics<subcore_parallel>], iteration_bounds = array<i64: 2, 16>, scalar_prefetch = 0 : i64, scratch_operands = 7 : i64, tpu.core_type = #tpu.core_type<sc_vector_subcore>, window_params = [{transform_indices = #map}, {transform_indices = #map1}, {transform_indices = #map}]} {
    %mul3A = arith.constant 2 : i32
    %mul3A_0 = arith.muli %arg1, %mul3A : i32
    %add3A = arith.addi %mul3A_0, %arg0 : i32
    "tpu.region"() ({
      %run_scoped3A = tpu.sem_alloc : memref<!tpu.dma_semaphore, #tpu.memory_space<semaphore_mem>>
      %dma_start3A_47 = arith.constant 0 : i32
      %dma_start3A_48 = arith.constant 0 : i32
      %dma_start3A_49 = tpu.memref_slice %arg3[%add3A, %dma_start3A_47, %dma_start3A_48] : memref<32x32x128xi32, #tpu.memory_space<hbm>> -> memref<1x32x128xi32, #tpu.memory_space<hbm>>
      %dma_start3A_50 = tpu.memref_squeeze %dma_start3A_49 : memref<1x32x128xi32, #tpu.memory_space<hbm>> -> memref<32x128xi32, #tpu.memory_space<hbm>>
      %dma_start3A_51 = arith.constant 0 : i32
      %dma_start3A_52 = arith.constant 0 : i32
      %dma_start3A_53 = tpu.memref_slice %arg3[%add3A, %dma_start3A_51, %dma_start3A_52] : memref<32x32x128xi32, #tpu.memory_space<hbm>> -> memref<1x32x128xi32, #tpu.memory_space<hbm>>
      %dma_start3A_54 = tpu.memref_squeeze %dma_start3A_53 : memref<1x32x128xi32, #tpu.memory_space<hbm>> -> memref<32x128xi32, #tpu.memory_space<hbm>>
      tpu.enqueue_dma source(%dma_start3A_54 : memref<32x128xi32, #tpu.memory_space<hbm>>) target(%arg5 : memref<32x128xi32, #tpu.memory_space<vmem>>) target_semaphore(%run_scoped3A : memref<!tpu.dma_semaphore, #tpu.memory_space<semaphore_mem>>)
      %dma_wait3A = arith.constant 0 : i32
      %dma_wait3A_55 = arith.constant 0 : i32
      %dma_wait3A_56 = tpu.memref_slice %arg3[%add3A, %dma_wait3A, %dma_wait3A_55] : memref<32x32x128xi32, #tpu.memory_space<hbm>> -> memref<1x32x128xi32, #tpu.memory_space<hbm>>
      %dma_wait3A_57 = tpu.memref_squeeze %dma_wait3A_56 : memref<1x32x128xi32, #tpu.memory_space<hbm>> -> memref<32x128xi32, #tpu.memory_space<hbm>>
      %dma_wait3A_58 = arith.constant 0 : i32
      %dma_wait3A_59 = arith.constant 0 : i32
      %dma_wait3A_60 = tpu.memref_slice %arg3[%add3A, %dma_wait3A_58, %dma_wait3A_59] : memref<32x32x128xi32, #tpu.memory_space<hbm>> -> memref<1x32x128xi32, #tpu.memory_space<hbm>>
      %dma_wait3A_61 = tpu.memref_squeeze %dma_wait3A_60 : memref<1x32x128xi32, #tpu.memory_space<hbm>> -> memref<32x128xi32, #tpu.memory_space<hbm>>
      tpu.wait_dma2 semaphore(%run_scoped3A : memref<!tpu.dma_semaphore, #tpu.memory_space<semaphore_mem>>) src(%dma_wait3A_61 : memref<32x128xi32, #tpu.memory_space<hbm>>) dst(%arg5 : memref<32x128xi32, #tpu.memory_space<vmem>>)
      tpu.yield
    }) : () -> ()
    %mul3A_1 = arith.constant 4096 : i32
    %mul3A_2 = arith.muli %add3A, %mul3A_1 : i32
    %dma_start3A = arith.constant 0 : i32
    %dma_start3A_3 = arith.constant 0 : i32
    %dma_start3A_4 = arith.constant 0 : i32
    %dma_start3A_5 = tpu.memref_slice %arg5[%dma_start3A, %dma_start3A_4] : memref<32x128xi32, #tpu.memory_space<vmem>> -> memref<1x128xi32, #tpu.memory_space<vmem>>
    %dma_start3A_6 = tpu.memref_squeeze %dma_start3A_5 : memref<1x128xi32, #tpu.memory_space<vmem>> -> memref<128xi32, #tpu.memory_space<vmem>>
    %dma_start3A_7 = arith.constant 0 : i32
    %dma_start3A_8 = arith.constant 0 : i32
    %dma_start3A_9 = tpu.memref_slice %arg2[%dma_start3A_7, %dma_start3A_8] : memref<16384x128xf32, #tpu.memory_space<hbm>> -> memref<16384x128xf32, #tpu.memory_space<hbm>>
    %dma_start3A_10 = tpu.memref_slice %arg10[%dma_start3A_3] : memref<4x!tpu.dma_semaphore, #tpu.memory_space<semaphore_mem>> -> memref<1x!tpu.dma_semaphore, #tpu.memory_space<semaphore_mem>>
    %dma_start3A_11 = tpu.memref_squeeze %dma_start3A_10 : memref<1x!tpu.dma_semaphore, #tpu.memory_space<semaphore_mem>> -> memref<!tpu.dma_semaphore, #tpu.memory_space<semaphore_mem>>
    tpu.enqueue_indirect_dma source(%dma_start3A_9 : memref<16384x128xf32, #tpu.memory_space<hbm>>) target(%arg6 : memref<128x128xf32, #tpu.memory_space<vmem>>) offsets(%dma_start3A_6 : memref<128xi32, #tpu.memory_space<vmem>>) semaphore(%dma_start3A_11 : memref<!tpu.dma_semaphore, #tpu.memory_space<semaphore_mem>>)
    %dma_start3A_12 = arith.constant 1 : i32
    %dma_start3A_13 = arith.constant 1 : i32
    %dma_start3A_14 = arith.constant 0 : i32
    %dma_start3A_15 = tpu.memref_slice %arg5[%dma_start3A_12, %dma_start3A_14] : memref<32x128xi32, #tpu.memory_space<vmem>> -> memref<1x128xi32, #tpu.memory_space<vmem>>
    %dma_start3A_16 = tpu.memref_squeeze %dma_start3A_15 : memref<1x128xi32, #tpu.memory_space<vmem>> -> memref<128xi32, #tpu.memory_space<vmem>>
    %dma_start3A_17 = arith.constant 0 : i32
    %dma_start3A_18 = arith.constant 0 : i32
    %dma_start3A_19 = tpu.memref_slice %arg2[%dma_start3A_17, %dma_start3A_18] : memref<16384x128xf32, #tpu.memory_space<hbm>> -> memref<16384x128xf32, #tpu.memory_space<hbm>>
    %dma_start3A_20 = tpu.memref_slice %arg10[%dma_start3A_13] : memref<4x!tpu.dma_semaphore, #tpu.memory_space<semaphore_mem>> -> memref<1x!tpu.dma_semaphore, #tpu.memory_space<semaphore_mem>>
    %dma_start3A_21 = tpu.memref_squeeze %dma_start3A_20 : memref<1x!tpu.dma_semaphore, #tpu.memory_space<semaphore_mem>> -> memref<!tpu.dma_semaphore, #tpu.memory_space<semaphore_mem>>
    tpu.enqueue_indirect_dma source(%dma_start3A_19 : memref<16384x128xf32, #tpu.memory_space<hbm>>) target(%arg7 : memref<128x128xf32, #tpu.memory_space<vmem>>) offsets(%dma_start3A_16 : memref<128xi32, #tpu.memory_space<vmem>>) semaphore(%dma_start3A_21 : memref<!tpu.dma_semaphore, #tpu.memory_space<semaphore_mem>>)
    %dma_start3A_22 = arith.constant 2 : i32
    %dma_start3A_23 = arith.constant 2 : i32
    %dma_start3A_24 = arith.constant 0 : i32
    %dma_start3A_25 = tpu.memref_slice %arg5[%dma_start3A_22, %dma_start3A_24] : memref<32x128xi32, #tpu.memory_space<vmem>> -> memref<1x128xi32, #tpu.memory_space<vmem>>
    %dma_start3A_26 = tpu.memref_squeeze %dma_start3A_25 : memref<1x128xi32, #tpu.memory_space<vmem>> -> memref<128xi32, #tpu.memory_space<vmem>>
    %dma_start3A_27 = arith.constant 0 : i32
    %dma_start3A_28 = arith.constant 0 : i32
    %dma_start3A_29 = tpu.memref_slice %arg2[%dma_start3A_27, %dma_start3A_28] : memref<16384x128xf32, #tpu.memory_space<hbm>> -> memref<16384x128xf32, #tpu.memory_space<hbm>>
    %dma_start3A_30 = tpu.memref_slice %arg10[%dma_start3A_23] : memref<4x!tpu.dma_semaphore, #tpu.memory_space<semaphore_mem>> -> memref<1x!tpu.dma_semaphore, #tpu.memory_space<semaphore_mem>>
    %dma_start3A_31 = tpu.memref_squeeze %dma_start3A_30 : memref<1x!tpu.dma_semaphore, #tpu.memory_space<semaphore_mem>> -> memref<!tpu.dma_semaphore, #tpu.memory_space<semaphore_mem>>
    tpu.enqueue_indirect_dma source(%dma_start3A_29 : memref<16384x128xf32, #tpu.memory_space<hbm>>) target(%arg8 : memref<128x128xf32, #tpu.memory_space<vmem>>) offsets(%dma_start3A_26 : memref<128xi32, #tpu.memory_space<vmem>>) semaphore(%dma_start3A_31 : memref<!tpu.dma_semaphore, #tpu.memory_space<semaphore_mem>>)
    %dma_start3A_32 = arith.constant 3 : i32
    %dma_start3A_33 = arith.constant 3 : i32
    %dma_start3A_34 = arith.constant 0 : i32
    %dma_start3A_35 = tpu.memref_slice %arg5[%dma_start3A_32, %dma_start3A_34] : memref<32x128xi32, #tpu.memory_space<vmem>> -> memref<1x128xi32, #tpu.memory_space<vmem>>
    %dma_start3A_36 = tpu.memref_squeeze %dma_start3A_35 : memref<1x128xi32, #tpu.memory_space<vmem>> -> memref<128xi32, #tpu.memory_space<vmem>>
    %dma_start3A_37 = arith.constant 0 : i32
    %dma_start3A_38 = arith.constant 0 : i32
    %dma_start3A_39 = tpu.memref_slice %arg2[%dma_start3A_37, %dma_start3A_38] : memref<16384x128xf32, #tpu.memory_space<hbm>> -> memref<16384x128xf32, #tpu.memory_space<hbm>>
    %dma_start3A_40 = tpu.memref_slice %arg10[%dma_start3A_33] : memref<4x!tpu.dma_semaphore, #tpu.memory_space<semaphore_mem>> -> memref<1x!tpu.dma_semaphore, #tpu.memory_space<semaphore_mem>>
    %dma_start3A_41 = tpu.memref_squeeze %dma_start3A_40 : memref<1x!tpu.dma_semaphore, #tpu.memory_space<semaphore_mem>> -> memref<!tpu.dma_semaphore, #tpu.memory_space<semaphore_mem>>
    tpu.enqueue_indirect_dma source(%dma_start3A_39 : memref<16384x128xf32, #tpu.memory_space<hbm>>) target(%arg9 : memref<128x128xf32, #tpu.memory_space<vmem>>) offsets(%dma_start3A_36 : memref<128xi32, #tpu.memory_space<vmem>>) semaphore(%dma_start3A_41 : memref<!tpu.dma_semaphore, #tpu.memory_space<semaphore_mem>>)
    %scan3A = arith.constant 0 : i32
    %scan3A_42 = arith.constant 0 : i32
    %scan3A_43 = arith.constant 8 : i32
    %scan3A_44 = arith.addi %scan3A_42, %scan3A_43 : i32
    %scan3A_45 = arith.constant 1 : i32
    scf.for %scan3A_47 = %scan3A_42 to %scan3A_44 step %scan3A_45  : i32 {
      %mul3A_48 = arith.constant 4 : i32
      %mul3A_49 = arith.muli %scan3A_47, %mul3A_48 : i32
      %add3A_50 = arith.constant 0 : i32
      %add3A_51 = arith.addi %mul3A_49, %add3A_50 : i32
      %dma_wait3A = arith.constant 0 : i32
      %dma_wait3A_52 = arith.constant 0 : i32
      %dma_wait3A_53 = tpu.memref_slice %arg5[%add3A_51, %dma_wait3A_52] : memref<32x128xi32, #tpu.memory_space<vmem>> -> memref<1x128xi32, #tpu.memory_space<vmem>>
      %dma_wait3A_54 = tpu.memref_squeeze %dma_wait3A_53 : memref<1x128xi32, #tpu.memory_space<vmem>> -> memref<128xi32, #tpu.memory_space<vmem>>
      %dma_wait3A_55 = arith.constant 0 : i32
      %dma_wait3A_56 = arith.constant 0 : i32
      %dma_wait3A_57 = tpu.memref_slice %arg2[%dma_wait3A_55, %dma_wait3A_56] : memref<16384x128xf32, #tpu.memory_space<hbm>> -> memref<16384x128xf32, #tpu.memory_space<hbm>>
      %dma_wait3A_58 = tpu.memref_slice %arg10[%dma_wait3A] : memref<4x!tpu.dma_semaphore, #tpu.memory_space<semaphore_mem>> -> memref<1x!tpu.dma_semaphore, #tpu.memory_space<semaphore_mem>>
      %dma_wait3A_59 = tpu.memref_squeeze %dma_wait3A_58 : memref<1x!tpu.dma_semaphore, #tpu.memory_space<semaphore_mem>> -> memref<!tpu.dma_semaphore, #tpu.memory_space<semaphore_mem>>
      tpu.wait_indirect_dma semaphore(%dma_wait3A_59 : memref<!tpu.dma_semaphore, #tpu.memory_space<semaphore_mem>>) src(%dma_wait3A_57 : memref<16384x128xf32, #tpu.memory_space<hbm>>) dst(%arg6 : memref<128x128xf32, #tpu.memory_space<vmem>>)
      %mul3A_60 = arith.constant 128 : i32
      %mul3A_61 = arith.muli %add3A_51, %mul3A_60 : i32
      %add3A_62 = arith.addi %mul3A_2, %mul3A_61 : i32
      %dma_start3A_63 = arith.constant 0 : i32
      %dma_start3A_64 = arith.constant 0 : i32
      %dma_start3A_65 = tpu.memref_slice %arg4[%add3A_62, %dma_start3A_64] : memref<131072x128xf32, #tpu.memory_space<hbm>> -> memref<128x128xf32, #tpu.memory_space<hbm>>
      %dma_start3A_66 = tpu.memref_slice %arg11[%dma_start3A_63] : memref<4x!tpu.dma_semaphore, #tpu.memory_space<semaphore_mem>> -> memref<1x!tpu.dma_semaphore, #tpu.memory_space<semaphore_mem>>
      %dma_start3A_67 = tpu.memref_squeeze %dma_start3A_66 : memref<1x!tpu.dma_semaphore, #tpu.memory_space<semaphore_mem>> -> memref<!tpu.dma_semaphore, #tpu.memory_space<semaphore_mem>>
      %dma_start3A_68 = arith.constant 0 : i32
      %dma_start3A_69 = tpu.memref_slice %arg4[%add3A_62, %dma_start3A_68] : memref<131072x128xf32, #tpu.memory_space<hbm>> -> memref<128x128xf32, #tpu.memory_space<hbm>>
      tpu.enqueue_dma source(%arg6 : memref<128x128xf32, #tpu.memory_space<vmem>>) target(%dma_start3A_69 : memref<128x128xf32, #tpu.memory_space<hbm>>) target_semaphore(%dma_start3A_67 : memref<!tpu.dma_semaphore, #tpu.memory_space<semaphore_mem>>)
      %mul3A_70 = arith.constant 4 : i32
      %mul3A_71 = arith.muli %scan3A_47, %mul3A_70 : i32
      %add3A_72 = arith.constant 1 : i32
      %add3A_73 = arith.addi %mul3A_71, %add3A_72 : i32
      %dma_wait3A_74 = arith.constant 1 : i32
      %dma_wait3A_75 = arith.constant 0 : i32
      %dma_wait3A_76 = tpu.memref_slice %arg5[%add3A_73, %dma_wait3A_75] : memref<32x128xi32, #tpu.memory_space<vmem>> -> memref<1x128xi32, #tpu.memory_space<vmem>>
      %dma_wait3A_77 = tpu.memref_squeeze %dma_wait3A_76 : memref<1x128xi32, #tpu.memory_space<vmem>> -> memref<128xi32, #tpu.memory_space<vmem>>
      %dma_wait3A_78 = arith.constant 0 : i32
      %dma_wait3A_79 = arith.constant 0 : i32
      %dma_wait3A_80 = tpu.memref_slice %arg2[%dma_wait3A_78, %dma_wait3A_79] : memref<16384x128xf32, #tpu.memory_space<hbm>> -> memref<16384x128xf32, #tpu.memory_space<hbm>>
      %dma_wait3A_81 = tpu.memref_slice %arg10[%dma_wait3A_74] : memref<4x!tpu.dma_semaphore, #tpu.memory_space<semaphore_mem>> -> memref<1x!tpu.dma_semaphore, #tpu.memory_space<semaphore_mem>>
      %dma_wait3A_82 = tpu.memref_squeeze %dma_wait3A_81 : memref<1x!tpu.dma_semaphore, #tpu.memory_space<semaphore_mem>> -> memref<!tpu.dma_semaphore, #tpu.memory_space<semaphore_mem>>
      tpu.wait_indirect_dma semaphore(%dma_wait3A_82 : memref<!tpu.dma_semaphore, #tpu.memory_space<semaphore_mem>>) src(%dma_wait3A_80 : memref<16384x128xf32, #tpu.memory_space<hbm>>) dst(%arg7 : memref<128x128xf32, #tpu.memory_space<vmem>>)
      %mul3A_83 = arith.constant 128 : i32
      %mul3A_84 = arith.muli %add3A_73, %mul3A_83 : i32
      %add3A_85 = arith.addi %mul3A_2, %mul3A_84 : i32
      %dma_start3A_86 = arith.constant 1 : i32
      %dma_start3A_87 = arith.constant 0 : i32
      %dma_start3A_88 = tpu.memref_slice %arg4[%add3A_85, %dma_start3A_87] : memref<131072x128xf32, #tpu.memory_space<hbm>> -> memref<128x128xf32, #tpu.memory_space<hbm>>
      %dma_start3A_89 = tpu.memref_slice %arg11[%dma_start3A_86] : memref<4x!tpu.dma_semaphore, #tpu.memory_space<semaphore_mem>> -> memref<1x!tpu.dma_semaphore, #tpu.memory_space<semaphore_mem>>
      %dma_start3A_90 = tpu.memref_squeeze %dma_start3A_89 : memref<1x!tpu.dma_semaphore, #tpu.memory_space<semaphore_mem>> -> memref<!tpu.dma_semaphore, #tpu.memory_space<semaphore_mem>>
      %dma_start3A_91 = arith.constant 0 : i32
      %dma_start3A_92 = tpu.memref_slice %arg4[%add3A_85, %dma_start3A_91] : memref<131072x128xf32, #tpu.memory_space<hbm>> -> memref<128x128xf32, #tpu.memory_space<hbm>>
      tpu.enqueue_dma source(%arg7 : memref<128x128xf32, #tpu.memory_space<vmem>>) target(%dma_start3A_92 : memref<128x128xf32, #tpu.memory_space<hbm>>) target_semaphore(%dma_start3A_90 : memref<!tpu.dma_semaphore, #tpu.memory_space<semaphore_mem>>)
      %mul3A_93 = arith.constant 4 : i32
      %mul3A_94 = arith.muli %scan3A_47, %mul3A_93 : i32
      %add3A_95 = arith.constant 2 : i32
      %add3A_96 = arith.addi %mul3A_94, %add3A_95 : i32
      %dma_wait3A_97 = arith.constant 2 : i32
      %dma_wait3A_98 = arith.constant 0 : i32
      %dma_wait3A_99 = tpu.memref_slice %arg5[%add3A_96, %dma_wait3A_98] : memref<32x128xi32, #tpu.memory_space<vmem>> -> memref<1x128xi32, #tpu.memory_space<vmem>>
      %dma_wait3A_100 = tpu.memref_squeeze %dma_wait3A_99 : memref<1x128xi32, #tpu.memory_space<vmem>> -> memref<128xi32, #tpu.memory_space<vmem>>
      %dma_wait3A_101 = arith.constant 0 : i32
      %dma_wait3A_102 = arith.constant 0 : i32
      %dma_wait3A_103 = tpu.memref_slice %arg2[%dma_wait3A_101, %dma_wait3A_102] : memref<16384x128xf32, #tpu.memory_space<hbm>> -> memref<16384x128xf32, #tpu.memory_space<hbm>>
      %dma_wait3A_104 = tpu.memref_slice %arg10[%dma_wait3A_97] : memref<4x!tpu.dma_semaphore, #tpu.memory_space<semaphore_mem>> -> memref<1x!tpu.dma_semaphore, #tpu.memory_space<semaphore_mem>>
      %dma_wait3A_105 = tpu.memref_squeeze %dma_wait3A_104 : memref<1x!tpu.dma_semaphore, #tpu.memory_space<semaphore_mem>> -> memref<!tpu.dma_semaphore, #tpu.memory_space<semaphore_mem>>
      tpu.wait_indirect_dma semaphore(%dma_wait3A_105 : memref<!tpu.dma_semaphore, #tpu.memory_space<semaphore_mem>>) src(%dma_wait3A_103 : memref<16384x128xf32, #tpu.memory_space<hbm>>) dst(%arg8 : memref<128x128xf32, #tpu.memory_space<vmem>>)
      %mul3A_106 = arith.constant 128 : i32
      %mul3A_107 = arith.muli %add3A_96, %mul3A_106 : i32
      %add3A_108 = arith.addi %mul3A_2, %mul3A_107 : i32
      %dma_start3A_109 = arith.constant 2 : i32
      %dma_start3A_110 = arith.constant 0 : i32
      %dma_start3A_111 = tpu.memref_slice %arg4[%add3A_108, %dma_start3A_110] : memref<131072x128xf32, #tpu.memory_space<hbm>> -> memref<128x128xf32, #tpu.memory_space<hbm>>
      %dma_start3A_112 = tpu.memref_slice %arg11[%dma_start3A_109] : memref<4x!tpu.dma_semaphore, #tpu.memory_space<semaphore_mem>> -> memref<1x!tpu.dma_semaphore, #tpu.memory_space<semaphore_mem>>
      %dma_start3A_113 = tpu.memref_squeeze %dma_start3A_112 : memref<1x!tpu.dma_semaphore, #tpu.memory_space<semaphore_mem>> -> memref<!tpu.dma_semaphore, #tpu.memory_space<semaphore_mem>>
      %dma_start3A_114 = arith.constant 0 : i32
      %dma_start3A_115 = tpu.memref_slice %arg4[%add3A_108, %dma_start3A_114] : memref<131072x128xf32, #tpu.memory_space<hbm>> -> memref<128x128xf32, #tpu.memory_space<hbm>>
      tpu.enqueue_dma source(%arg8 : memref<128x128xf32, #tpu.memory_space<vmem>>) target(%dma_start3A_115 : memref<128x128xf32, #tpu.memory_space<hbm>>) target_semaphore(%dma_start3A_113 : memref<!tpu.dma_semaphore, #tpu.memory_space<semaphore_mem>>)
      %mul3A_116 = arith.constant 4 : i32
      %mul3A_117 = arith.muli %scan3A_47, %mul3A_116 : i32
      %add3A_118 = arith.constant 3 : i32
      %add3A_119 = arith.addi %mul3A_117, %add3A_118 : i32
      %dma_wait3A_120 = arith.constant 3 : i32
      %dma_wait3A_121 = arith.constant 0 : i32
      %dma_wait3A_122 = tpu.memref_slice %arg5[%add3A_119, %dma_wait3A_121] : memref<32x128xi32, #tpu.memory_space<vmem>> -> memref<1x128xi32, #tpu.memory_space<vmem>>
      %dma_wait3A_123 = tpu.memref_squeeze %dma_wait3A_122 : memref<1x128xi32, #tpu.memory_space<vmem>> -> memref<128xi32, #tpu.memory_space<vmem>>
      %dma_wait3A_124 = arith.constant 0 : i32
      %dma_wait3A_125 = arith.constant 0 : i32
      %dma_wait3A_126 = tpu.memref_slice %arg2[%dma_wait3A_124, %dma_wait3A_125] : memref<16384x128xf32, #tpu.memory_space<hbm>> -> memref<16384x128xf32, #tpu.memory_space<hbm>>
      %dma_wait3A_127 = tpu.memref_slice %arg10[%dma_wait3A_120] : memref<4x!tpu.dma_semaphore, #tpu.memory_space<semaphore_mem>> -> memref<1x!tpu.dma_semaphore, #tpu.memory_space<semaphore_mem>>
      %dma_wait3A_128 = tpu.memref_squeeze %dma_wait3A_127 : memref<1x!tpu.dma_semaphore, #tpu.memory_space<semaphore_mem>> -> memref<!tpu.dma_semaphore, #tpu.memory_space<semaphore_mem>>
      tpu.wait_indirect_dma semaphore(%dma_wait3A_128 : memref<!tpu.dma_semaphore, #tpu.memory_space<semaphore_mem>>) src(%dma_wait3A_126 : memref<16384x128xf32, #tpu.memory_space<hbm>>) dst(%arg9 : memref<128x128xf32, #tpu.memory_space<vmem>>)
      %mul3A_129 = arith.constant 128 : i32
      %mul3A_130 = arith.muli %add3A_119, %mul3A_129 : i32
      %add3A_131 = arith.addi %mul3A_2, %mul3A_130 : i32
      %dma_start3A_132 = arith.constant 3 : i32
      %dma_start3A_133 = arith.constant 0 : i32
      %dma_start3A_134 = tpu.memref_slice %arg4[%add3A_131, %dma_start3A_133] : memref<131072x128xf32, #tpu.memory_space<hbm>> -> memref<128x128xf32, #tpu.memory_space<hbm>>
      %dma_start3A_135 = tpu.memref_slice %arg11[%dma_start3A_132] : memref<4x!tpu.dma_semaphore, #tpu.memory_space<semaphore_mem>> -> memref<1x!tpu.dma_semaphore, #tpu.memory_space<semaphore_mem>>
      %dma_start3A_136 = tpu.memref_squeeze %dma_start3A_135 : memref<1x!tpu.dma_semaphore, #tpu.memory_space<semaphore_mem>> -> memref<!tpu.dma_semaphore, #tpu.memory_space<semaphore_mem>>
      %dma_start3A_137 = arith.constant 0 : i32
      %dma_start3A_138 = tpu.memref_slice %arg4[%add3A_131, %dma_start3A_137] : memref<131072x128xf32, #tpu.memory_space<hbm>> -> memref<128x128xf32, #tpu.memory_space<hbm>>
      tpu.enqueue_dma source(%arg9 : memref<128x128xf32, #tpu.memory_space<vmem>>) target(%dma_start3A_138 : memref<128x128xf32, #tpu.memory_space<hbm>>) target_semaphore(%dma_start3A_136 : memref<!tpu.dma_semaphore, #tpu.memory_space<semaphore_mem>>)
      %mul3A_139 = arith.constant 4 : i32
      %mul3A_140 = arith.muli %scan3A_47, %mul3A_139 : i32
      %add3A_141 = arith.constant 0 : i32
      %add3A_142 = arith.addi %mul3A_140, %add3A_141 : i32
      %mul3A_143 = arith.constant 128 : i32
      %mul3A_144 = arith.muli %add3A_142, %mul3A_143 : i32
      %add3A_145 = arith.addi %mul3A_2, %mul3A_144 : i32
      %dma_wait3A_146 = arith.constant 0 : i32
      %dma_wait3A_147 = arith.constant 0 : i32
      %dma_wait3A_148 = tpu.memref_slice %arg4[%add3A_145, %dma_wait3A_147] : memref<131072x128xf32, #tpu.memory_space<hbm>> -> memref<128x128xf32, #tpu.memory_space<hbm>>
      %dma_wait3A_149 = tpu.memref_slice %arg11[%dma_wait3A_146] : memref<4x!tpu.dma_semaphore, #tpu.memory_space<semaphore_mem>> -> memref<1x!tpu.dma_semaphore, #tpu.memory_space<semaphore_mem>>
      %dma_wait3A_150 = tpu.memref_squeeze %dma_wait3A_149 : memref<1x!tpu.dma_semaphore, #tpu.memory_space<semaphore_mem>> -> memref<!tpu.dma_semaphore, #tpu.memory_space<semaphore_mem>>
      %dma_wait3A_151 = arith.constant 0 : i32
      %dma_wait3A_152 = tpu.memref_slice %arg4[%add3A_145, %dma_wait3A_151] : memref<131072x128xf32, #tpu.memory_space<hbm>> -> memref<128x128xf32, #tpu.memory_space<hbm>>
      tpu.wait_dma2 semaphore(%dma_wait3A_150 : memref<!tpu.dma_semaphore, #tpu.memory_space<semaphore_mem>>) src(%arg6 : memref<128x128xf32, #tpu.memory_space<vmem>>) dst(%dma_wait3A_152 : memref<128x128xf32, #tpu.memory_space<hbm>>)
      %lt3A = arith.constant 7 : i32
      %lt3A_153 = arith.cmpi slt, %scan3A_47, %lt3A : i32
      %convert_element_type3A = arith.extui %lt3A_153 : i1 to i32
      %cond3A = arith.constant 0 : i32
      %cond3A_154 = arith.cmpi ne, %convert_element_type3A, %cond3A : i32
      scf.if %cond3A_154 {
        %add3A_212 = arith.constant 4 : i32
        %add3A_213 = arith.addi %add3A_142, %add3A_212 : i32
        %dma_start3A_214 = arith.constant 0 : i32
        %dma_start3A_215 = arith.constant 0 : i32
        %dma_start3A_216 = tpu.memref_slice %arg5[%add3A_213, %dma_start3A_215] : memref<32x128xi32, #tpu.memory_space<vmem>> -> memref<1x128xi32, #tpu.memory_space<vmem>>
        %dma_start3A_217 = tpu.memref_squeeze %dma_start3A_216 : memref<1x128xi32, #tpu.memory_space<vmem>> -> memref<128xi32, #tpu.memory_space<vmem>>
        %dma_start3A_218 = arith.constant 0 : i32
        %dma_start3A_219 = arith.constant 0 : i32
        %dma_start3A_220 = tpu.memref_slice %arg2[%dma_start3A_218, %dma_start3A_219] : memref<16384x128xf32, #tpu.memory_space<hbm>> -> memref<16384x128xf32, #tpu.memory_space<hbm>>
        %dma_start3A_221 = tpu.memref_slice %arg10[%dma_start3A_214] : memref<4x!tpu.dma_semaphore, #tpu.memory_space<semaphore_mem>> -> memref<1x!tpu.dma_semaphore, #tpu.memory_space<semaphore_mem>>
        %dma_start3A_222 = tpu.memref_squeeze %dma_start3A_221 : memref<1x!tpu.dma_semaphore, #tpu.memory_space<semaphore_mem>> -> memref<!tpu.dma_semaphore, #tpu.memory_space<semaphore_mem>>
        tpu.enqueue_indirect_dma source(%dma_start3A_220 : memref<16384x128xf32, #tpu.memory_space<hbm>>) target(%arg6 : memref<128x128xf32, #tpu.memory_space<vmem>>) offsets(%dma_start3A_217 : memref<128xi32, #tpu.memory_space<vmem>>) semaphore(%dma_start3A_222 : memref<!tpu.dma_semaphore, #tpu.memory_space<semaphore_mem>>)
      } else {
      }
      %mul3A_155 = arith.constant 4 : i32
      %mul3A_156 = arith.muli %scan3A_47, %mul3A_155 : i32
      %add3A_157 = arith.constant 1 : i32
      %add3A_158 = arith.addi %mul3A_156, %add3A_157 : i32
      %mul3A_159 = arith.constant 128 : i32
      %mul3A_160 = arith.muli %add3A_158, %mul3A_159 : i32
      %add3A_161 = arith.addi %mul3A_2, %mul3A_160 : i32
      %dma_wait3A_162 = arith.constant 1 : i32
      %dma_wait3A_163 = arith.constant 0 : i32
      %dma_wait3A_164 = tpu.memref_slice %arg4[%add3A_161, %dma_wait3A_163] : memref<131072x128xf32, #tpu.memory_space<hbm>> -> memref<128x128xf32, #tpu.memory_space<hbm>>
      %dma_wait3A_165 = tpu.memref_slice %arg11[%dma_wait3A_162] : memref<4x!tpu.dma_semaphore, #tpu.memory_space<semaphore_mem>> -> memref<1x!tpu.dma_semaphore, #tpu.memory_space<semaphore_mem>>
      %dma_wait3A_166 = tpu.memref_squeeze %dma_wait3A_165 : memref<1x!tpu.dma_semaphore, #tpu.memory_space<semaphore_mem>> -> memref<!tpu.dma_semaphore, #tpu.memory_space<semaphore_mem>>
      %dma_wait3A_167 = arith.constant 0 : i32
      %dma_wait3A_168 = tpu.memref_slice %arg4[%add3A_161, %dma_wait3A_167] : memref<131072x128xf32, #tpu.memory_space<hbm>> -> memref<128x128xf32, #tpu.memory_space<hbm>>
      tpu.wait_dma2 semaphore(%dma_wait3A_166 : memref<!tpu.dma_semaphore, #tpu.memory_space<semaphore_mem>>) src(%arg7 : memref<128x128xf32, #tpu.memory_space<vmem>>) dst(%dma_wait3A_168 : memref<128x128xf32, #tpu.memory_space<hbm>>)
      %lt3A_169 = arith.constant 7 : i32
      %lt3A_170 = arith.cmpi slt, %scan3A_47, %lt3A_169 : i32
      %convert_element_type3A_171 = arith.extui %lt3A_170 : i1 to i32
      %cond3A_172 = arith.constant 0 : i32
      %cond3A_173 = arith.cmpi ne, %convert_element_type3A_171, %cond3A_172 : i32
      scf.if %cond3A_173 {
        %add3A_212 = arith.constant 4 : i32
        %add3A_213 = arith.addi %add3A_158, %add3A_212 : i32
        %dma_start3A_214 = arith.constant 1 : i32
        %dma_start3A_215 = arith.constant 0 : i32
        %dma_start3A_216 = tpu.memref_slice %arg5[%add3A_213, %dma_start3A_215] : memref<32x128xi32, #tpu.memory_space<vmem>> -> memref<1x128xi32, #tpu.memory_space<vmem>>
        %dma_start3A_217 = tpu.memref_squeeze %dma_start3A_216 : memref<1x128xi32, #tpu.memory_space<vmem>> -> memref<128xi32, #tpu.memory_space<vmem>>
        %dma_start3A_218 = arith.constant 0 : i32
        %dma_start3A_219 = arith.constant 0 : i32
        %dma_start3A_220 = tpu.memref_slice %arg2[%dma_start3A_218, %dma_start3A_219] : memref<16384x128xf32, #tpu.memory_space<hbm>> -> memref<16384x128xf32, #tpu.memory_space<hbm>>
        %dma_start3A_221 = tpu.memref_slice %arg10[%dma_start3A_214] : memref<4x!tpu.dma_semaphore, #tpu.memory_space<semaphore_mem>> -> memref<1x!tpu.dma_semaphore, #tpu.memory_space<semaphore_mem>>
        %dma_start3A_222 = tpu.memref_squeeze %dma_start3A_221 : memref<1x!tpu.dma_semaphore, #tpu.memory_space<semaphore_mem>> -> memref<!tpu.dma_semaphore, #tpu.memory_space<semaphore_mem>>
        tpu.enqueue_indirect_dma source(%dma_start3A_220 : memref<16384x128xf32, #tpu.memory_space<hbm>>) target(%arg7 : memref<128x128xf32, #tpu.memory_space<vmem>>) offsets(%dma_start3A_217 : memref<128xi32, #tpu.memory_space<vmem>>) semaphore(%dma_start3A_222 : memref<!tpu.dma_semaphore, #tpu.memory_space<semaphore_mem>>)
      } else {
      }
      %mul3A_174 = arith.constant 4 : i32
      %mul3A_175 = arith.muli %scan3A_47, %mul3A_174 : i32
      %add3A_176 = arith.constant 2 : i32
      %add3A_177 = arith.addi %mul3A_175, %add3A_176 : i32
      %mul3A_178 = arith.constant 128 : i32
      %mul3A_179 = arith.muli %add3A_177, %mul3A_178 : i32
      %add3A_180 = arith.addi %mul3A_2, %mul3A_179 : i32
      %dma_wait3A_181 = arith.constant 2 : i32
      %dma_wait3A_182 = arith.constant 0 : i32
      %dma_wait3A_183 = tpu.memref_slice %arg4[%add3A_180, %dma_wait3A_182] : memref<131072x128xf32, #tpu.memory_space<hbm>> -> memref<128x128xf32, #tpu.memory_space<hbm>>
      %dma_wait3A_184 = tpu.memref_slice %arg11[%dma_wait3A_181] : memref<4x!tpu.dma_semaphore, #tpu.memory_space<semaphore_mem>> -> memref<1x!tpu.dma_semaphore, #tpu.memory_space<semaphore_mem>>
      %dma_wait3A_185 = tpu.memref_squeeze %dma_wait3A_184 : memref<1x!tpu.dma_semaphore, #tpu.memory_space<semaphore_mem>> -> memref<!tpu.dma_semaphore, #tpu.memory_space<semaphore_mem>>
      %dma_wait3A_186 = arith.constant 0 : i32
      %dma_wait3A_187 = tpu.memref_slice %arg4[%add3A_180, %dma_wait3A_186] : memref<131072x128xf32, #tpu.memory_space<hbm>> -> memref<128x128xf32, #tpu.memory_space<hbm>>
      tpu.wait_dma2 semaphore(%dma_wait3A_185 : memref<!tpu.dma_semaphore, #tpu.memory_space<semaphore_mem>>) src(%arg8 : memref<128x128xf32, #tpu.memory_space<vmem>>) dst(%dma_wait3A_187 : memref<128x128xf32, #tpu.memory_space<hbm>>)
      %lt3A_188 = arith.constant 7 : i32
      %lt3A_189 = arith.cmpi slt, %scan3A_47, %lt3A_188 : i32
      %convert_element_type3A_190 = arith.extui %lt3A_189 : i1 to i32
      %cond3A_191 = arith.constant 0 : i32
      %cond3A_192 = arith.cmpi ne, %convert_element_type3A_190, %cond3A_191 : i32
      scf.if %cond3A_192 {
        %add3A_212 = arith.constant 4 : i32
        %add3A_213 = arith.addi %add3A_177, %add3A_212 : i32
        %dma_start3A_214 = arith.constant 2 : i32
        %dma_start3A_215 = arith.constant 0 : i32
        %dma_start3A_216 = tpu.memref_slice %arg5[%add3A_213, %dma_start3A_215] : memref<32x128xi32, #tpu.memory_space<vmem>> -> memref<1x128xi32, #tpu.memory_space<vmem>>
        %dma_start3A_217 = tpu.memref_squeeze %dma_start3A_216 : memref<1x128xi32, #tpu.memory_space<vmem>> -> memref<128xi32, #tpu.memory_space<vmem>>
        %dma_start3A_218 = arith.constant 0 : i32
        %dma_start3A_219 = arith.constant 0 : i32
        %dma_start3A_220 = tpu.memref_slice %arg2[%dma_start3A_218, %dma_start3A_219] : memref<16384x128xf32, #tpu.memory_space<hbm>> -> memref<16384x128xf32, #tpu.memory_space<hbm>>
        %dma_start3A_221 = tpu.memref_slice %arg10[%dma_start3A_214] : memref<4x!tpu.dma_semaphore, #tpu.memory_space<semaphore_mem>> -> memref<1x!tpu.dma_semaphore, #tpu.memory_space<semaphore_mem>>
        %dma_start3A_222 = tpu.memref_squeeze %dma_start3A_221 : memref<1x!tpu.dma_semaphore, #tpu.memory_space<semaphore_mem>> -> memref<!tpu.dma_semaphore, #tpu.memory_space<semaphore_mem>>
        tpu.enqueue_indirect_dma source(%dma_start3A_220 : memref<16384x128xf32, #tpu.memory_space<hbm>>) target(%arg8 : memref<128x128xf32, #tpu.memory_space<vmem>>) offsets(%dma_start3A_217 : memref<128xi32, #tpu.memory_space<vmem>>) semaphore(%dma_start3A_222 : memref<!tpu.dma_semaphore, #tpu.memory_space<semaphore_mem>>)
      } else {
      }
      %mul3A_193 = arith.constant 4 : i32
      %mul3A_194 = arith.muli %scan3A_47, %mul3A_193 : i32
      %add3A_195 = arith.constant 3 : i32
      %add3A_196 = arith.addi %mul3A_194, %add3A_195 : i32
      %mul3A_197 = arith.constant 128 : i32
      %mul3A_198 = arith.muli %add3A_196, %mul3A_197 : i32
      %add3A_199 = arith.addi %mul3A_2, %mul3A_198 : i32
      %dma_wait3A_200 = arith.constant 3 : i32
      %dma_wait3A_201 = arith.constant 0 : i32
      %dma_wait3A_202 = tpu.memref_slice %arg4[%add3A_199, %dma_wait3A_201] : memref<131072x128xf32, #tpu.memory_space<hbm>> -> memref<128x128xf32, #tpu.memory_space<hbm>>
      %dma_wait3A_203 = tpu.memref_slice %arg11[%dma_wait3A_200] : memref<4x!tpu.dma_semaphore, #tpu.memory_space<semaphore_mem>> -> memref<1x!tpu.dma_semaphore, #tpu.memory_space<semaphore_mem>>
      %dma_wait3A_204 = tpu.memref_squeeze %dma_wait3A_203 : memref<1x!tpu.dma_semaphore, #tpu.memory_space<semaphore_mem>> -> memref<!tpu.dma_semaphore, #tpu.memory_space<semaphore_mem>>
      %dma_wait3A_205 = arith.constant 0 : i32
      %dma_wait3A_206 = tpu.memref_slice %arg4[%add3A_199, %dma_wait3A_205] : memref<131072x128xf32, #tpu.memory_space<hbm>> -> memref<128x128xf32, #tpu.memory_space<hbm>>
      tpu.wait_dma2 semaphore(%dma_wait3A_204 : memref<!tpu.dma_semaphore, #tpu.memory_space<semaphore_mem>>) src(%arg9 : memref<128x128xf32, #tpu.memory_space<vmem>>) dst(%dma_wait3A_206 : memref<128x128xf32, #tpu.memory_space<hbm>>)
      %lt3A_207 = arith.constant 7 : i32
      %lt3A_208 = arith.cmpi slt, %scan3A_47, %lt3A_207 : i32
      %convert_element_type3A_209 = arith.extui %lt3A_208 : i1 to i32
      %cond3A_210 = arith.constant 0 : i32
      %cond3A_211 = arith.cmpi ne, %convert_element_type3A_209, %cond3A_210 : i32
      scf.if %cond3A_211 {
        %add3A_212 = arith.constant 4 : i32
        %add3A_213 = arith.addi %add3A_196, %add3A_212 : i32
        %dma_start3A_214 = arith.constant 3 : i32
        %dma_start3A_215 = arith.constant 0 : i32
        %dma_start3A_216 = tpu.memref_slice %arg5[%add3A_213, %dma_start3A_215] : memref<32x128xi32, #tpu.memory_space<vmem>> -> memref<1x128xi32, #tpu.memory_space<vmem>>
        %dma_start3A_217 = tpu.memref_squeeze %dma_start3A_216 : memref<1x128xi32, #tpu.memory_space<vmem>> -> memref<128xi32, #tpu.memory_space<vmem>>
        %dma_start3A_218 = arith.constant 0 : i32
        %dma_start3A_219 = arith.constant 0 : i32
        %dma_start3A_220 = tpu.memref_slice %arg2[%dma_start3A_218, %dma_start3A_219] : memref<16384x128xf32, #tpu.memory_space<hbm>> -> memref<16384x128xf32, #tpu.memory_space<hbm>>
        %dma_start3A_221 = tpu.memref_slice %arg10[%dma_start3A_214] : memref<4x!tpu.dma_semaphore, #tpu.memory_space<semaphore_mem>> -> memref<1x!tpu.dma_semaphore, #tpu.memory_space<semaphore_mem>>
        %dma_start3A_222 = tpu.memref_squeeze %dma_start3A_221 : memref<1x!tpu.dma_semaphore, #tpu.memory_space<semaphore_mem>> -> memref<!tpu.dma_semaphore, #tpu.memory_space<semaphore_mem>>
        tpu.enqueue_indirect_dma source(%dma_start3A_220 : memref<16384x128xf32, #tpu.memory_space<hbm>>) target(%arg9 : memref<128x128xf32, #tpu.memory_space<vmem>>) offsets(%dma_start3A_217 : memref<128xi32, #tpu.memory_space<vmem>>) semaphore(%dma_start3A_222 : memref<!tpu.dma_semaphore, #tpu.memory_space<semaphore_mem>>)
      } else {
      }
    }
    %scan3A_46 = arith.constant 8 : i32
    return
  }
}

module attributes {stable_mosaic.version = 14 : i64} {
  func.func @_fps_body(%arg0: memref<8x3x2048xf32, #tpu.memory_space<vmem>>, %arg1: memref<8x3x512xf32, #tpu.memory_space<vmem>>) attributes {dimension_semantics = [], scalar_prefetch = 0 : i64, scratch_operands = 0 : i64, tpu.core_type = #tpu.core_type<tc>} {
    %iota3A = tpu.iota {dimensions = array<i32: 1>} : vector<8x2048xi32>
    %iota3A_0 = tpu.iota {dimensions = array<i32: 1>} : vector<8x512xi32>
    %get3A = arith.constant 0 : index
    %get3A_1 = arith.constant 0 : index
    %get3A_2 = arith.constant 0 : index
    %get3A_3 = vector.load %arg0[%get3A, %get3A_1, %get3A_2] : memref<8x3x2048xf32, #tpu.memory_space<vmem>>, vector<8x1x2048xf32>
    %get3A_4 = vector.shape_cast %get3A_3 : vector<8x1x2048xf32> to vector<8x2048xf32>
    %get3A_5 = arith.constant 0 : index
    %get3A_6 = arith.constant 1 : index
    %get3A_7 = arith.constant 0 : index
    %get3A_8 = vector.load %arg0[%get3A_5, %get3A_6, %get3A_7] : memref<8x3x2048xf32, #tpu.memory_space<vmem>>, vector<8x1x2048xf32>
    %get3A_9 = vector.shape_cast %get3A_8 : vector<8x1x2048xf32> to vector<8x2048xf32>
    %get3A_10 = arith.constant 0 : index
    %get3A_11 = arith.constant 2 : index
    %get3A_12 = arith.constant 0 : index
    %get3A_13 = vector.load %arg0[%get3A_10, %get3A_11, %get3A_12] : memref<8x3x2048xf32, #tpu.memory_space<vmem>>, vector<8x1x2048xf32>
    %get3A_14 = vector.shape_cast %get3A_13 : vector<8x1x2048xf32> to vector<8x2048xf32>
    %broadcast_in_dim3A = arith.constant 0.000000e+00 : f32
    %broadcast_in_dim3A_15 = vector.broadcast %broadcast_in_dim3A : f32 to vector<8x512xf32>
    %broadcast_in_dim3A_16 = arith.constant 1.000000e+10 : f32
    %broadcast_in_dim3A_17 = vector.broadcast %broadcast_in_dim3A_16 : f32 to vector<8x2048xf32>
    %broadcast_in_dim3A_18 = arith.constant 0 : i32
    %broadcast_in_dim3A_19 = vector.broadcast %broadcast_in_dim3A_18 : i32 to vector<8x1xi32>
    %scan3A = arith.constant 0 : i32
    %scan3A_20 = arith.constant 512 : i32
    %scan3A_21 = arith.addi %scan3A, %scan3A_20 : i32
    %scan3A_22 = arith.constant 1 : i32
    %scan3A_23:5 = scf.for %scan3A_42 = %scan3A to %scan3A_21 step %scan3A_22 iter_args(%scan3A_43 = %broadcast_in_dim3A_17, %scan3A_44 = %broadcast_in_dim3A_19, %scan3A_45 = %broadcast_in_dim3A_15, %scan3A_46 = %broadcast_in_dim3A_15, %scan3A_47 = %broadcast_in_dim3A_15) -> (vector<8x2048xf32>, vector<8x1xi32>, vector<8x512xf32>, vector<8x512xf32>, vector<8x512xf32>)  : i32 {
      %eq3A = vector.broadcast %scan3A_44 : vector<8x1xi32> to vector<8x2048xi32>
      %eq3A_48 = arith.cmpi eq, %iota3A, %eq3A : vector<8x2048xi32>
      %convert_element_type3A = arith.extui %eq3A_48 : vector<8x2048xi1> to vector<8x2048xi32>
      %convert_element_type3A_49 = arith.sitofp %convert_element_type3A : vector<8x2048xi32> to vector<8x2048xf32>
      %mul3A = arith.mulf %get3A_4, %convert_element_type3A_49 : vector<8x2048xf32>
      %reduce_sum3A = arith.constant dense<0.000000e+00> : vector<8xf32>
      %reduce_sum3A_50 = vector.multi_reduction <add>, %mul3A, %reduce_sum3A [1] : vector<8x2048xf32> to vector<8xf32>
      %broadcast_in_dim3A_51 = vector.shape_cast %reduce_sum3A_50 : vector<8xf32> to vector<8x1xf32>
      %mul3A_52 = arith.mulf %get3A_9, %convert_element_type3A_49 : vector<8x2048xf32>
      %reduce_sum3A_53 = arith.constant dense<0.000000e+00> : vector<8xf32>
      %reduce_sum3A_54 = vector.multi_reduction <add>, %mul3A_52, %reduce_sum3A_53 [1] : vector<8x2048xf32> to vector<8xf32>
      %broadcast_in_dim3A_55 = vector.shape_cast %reduce_sum3A_54 : vector<8xf32> to vector<8x1xf32>
      %mul3A_56 = arith.mulf %get3A_14, %convert_element_type3A_49 : vector<8x2048xf32>
      %reduce_sum3A_57 = arith.constant dense<0.000000e+00> : vector<8xf32>
      %reduce_sum3A_58 = vector.multi_reduction <add>, %mul3A_56, %reduce_sum3A_57 [1] : vector<8x2048xf32> to vector<8xf32>
      %broadcast_in_dim3A_59 = vector.shape_cast %reduce_sum3A_58 : vector<8xf32> to vector<8x1xf32>
      %eq3A_60 = vector.broadcast %scan3A_42 : i32 to vector<8x512xi32>
      %eq3A_61 = arith.cmpi eq, %iota3A_0, %eq3A_60 : vector<8x512xi32>
      %broadcast_in_dim3A_62 = vector.shape_cast %broadcast_in_dim3A_51 : vector<8x1xf32> to vector<8x1xf32>
      %broadcast_in_dim3A_63 = vector.broadcast %broadcast_in_dim3A_62 : vector<8x1xf32> to vector<8x512xf32>
      %select_n3A = arith.select %eq3A_61, %broadcast_in_dim3A_63, %scan3A_45 : vector<8x512xi1>, vector<8x512xf32>
      %broadcast_in_dim3A_64 = vector.shape_cast %broadcast_in_dim3A_55 : vector<8x1xf32> to vector<8x1xf32>
      %broadcast_in_dim3A_65 = vector.broadcast %broadcast_in_dim3A_64 : vector<8x1xf32> to vector<8x512xf32>
      %select_n3A_66 = arith.select %eq3A_61, %broadcast_in_dim3A_65, %scan3A_46 : vector<8x512xi1>, vector<8x512xf32>
      %broadcast_in_dim3A_67 = vector.shape_cast %broadcast_in_dim3A_59 : vector<8x1xf32> to vector<8x1xf32>
      %broadcast_in_dim3A_68 = vector.broadcast %broadcast_in_dim3A_67 : vector<8x1xf32> to vector<8x512xf32>
      %select_n3A_69 = arith.select %eq3A_61, %broadcast_in_dim3A_68, %scan3A_47 : vector<8x512xi1>, vector<8x512xf32>
      %sub3A = vector.broadcast %broadcast_in_dim3A_51 : vector<8x1xf32> to vector<8x2048xf32>
      %sub3A_70 = arith.subf %get3A_4, %sub3A : vector<8x2048xf32>
      %sub3A_71 = vector.broadcast %broadcast_in_dim3A_55 : vector<8x1xf32> to vector<8x2048xf32>
      %sub3A_72 = arith.subf %get3A_9, %sub3A_71 : vector<8x2048xf32>
      %sub3A_73 = vector.broadcast %broadcast_in_dim3A_59 : vector<8x1xf32> to vector<8x2048xf32>
      %sub3A_74 = arith.subf %get3A_14, %sub3A_73 : vector<8x2048xf32>
      %mul3A_75 = arith.mulf %sub3A_70, %sub3A_70 : vector<8x2048xf32>
      %mul3A_76 = arith.mulf %sub3A_72, %sub3A_72 : vector<8x2048xf32>
      %add3A = arith.addf %mul3A_75, %mul3A_76 : vector<8x2048xf32>
      %mul3A_77 = arith.mulf %sub3A_74, %sub3A_74 : vector<8x2048xf32>
      %add3A_78 = arith.addf %add3A, %mul3A_77 : vector<8x2048xf32>
      %min3A = arith.minimumf %scan3A_43, %add3A_78 : vector<8x2048xf32>
      %reduce_max3A = arith.constant dense<0xFF800000> : vector<8xf32>
      %reduce_max3A_79 = vector.multi_reduction <maximumf>, %min3A, %reduce_max3A [1] : vector<8x2048xf32> to vector<8xf32>
      %broadcast_in_dim3A_80 = vector.shape_cast %reduce_max3A_79 : vector<8xf32> to vector<8x1xf32>
      %eq3A_81 = vector.broadcast %broadcast_in_dim3A_80 : vector<8x1xf32> to vector<8x2048xf32>
      %eq3A_82 = arith.cmpf oeq, %min3A, %eq3A_81 : vector<8x2048xf32>
      %jit3A = arith.constant 2048 : i32
      %broadcast_in_dim3A_83 = vector.broadcast %jit3A : i32 to vector<8x2048xi32>
      %select_n3A_84 = arith.select %eq3A_82, %iota3A, %broadcast_in_dim3A_83 : vector<8x2048xi1>, vector<8x2048xi32>
      %reduce_min3A = arith.constant dense<2147483647> : vector<8xi32>
      %reduce_min3A_85 = vector.multi_reduction <minsi>, %select_n3A_84, %reduce_min3A [1] : vector<8x2048xi32> to vector<8xi32>
      %broadcast_in_dim3A_86 = vector.shape_cast %reduce_min3A_85 : vector<8xi32> to vector<8x1xi32>
      scf.yield %min3A, %broadcast_in_dim3A_86, %select_n3A, %select_n3A_66, %select_n3A_69 : vector<8x2048xf32>, vector<8x1xi32>, vector<8x512xf32>, vector<8x512xf32>, vector<8x512xf32>
    }
    %scan3A_24 = arith.constant 512 : i32
    %swap3A = arith.constant 0 : index
    %swap3A_25 = arith.constant 0 : index
    %swap3A_26 = arith.constant 0 : index
    %swap3A_27 = vector.load %arg1[%swap3A, %swap3A_25, %swap3A_26] : memref<8x3x512xf32, #tpu.memory_space<vmem>>, vector<8x1x512xf32>
    %swap3A_28 = vector.shape_cast %swap3A_27 : vector<8x1x512xf32> to vector<8x512xf32>
    %swap3A_29 = vector.shape_cast %scan3A_23#2 : vector<8x512xf32> to vector<8x1x512xf32>
    tpu.vector_store %arg1[%swap3A, %swap3A_25, %swap3A_26], %swap3A_29 {strides = array<i32>} : memref<8x3x512xf32, #tpu.memory_space<vmem>>, vector<8x1x512xf32>,
    %swap3A_30 = arith.constant 0 : index
    %swap3A_31 = arith.constant 1 : index
    %swap3A_32 = arith.constant 0 : index
    %swap3A_33 = vector.load %arg1[%swap3A_30, %swap3A_31, %swap3A_32] : memref<8x3x512xf32, #tpu.memory_space<vmem>>, vector<8x1x512xf32>
    %swap3A_34 = vector.shape_cast %swap3A_33 : vector<8x1x512xf32> to vector<8x512xf32>
    %swap3A_35 = vector.shape_cast %scan3A_23#3 : vector<8x512xf32> to vector<8x1x512xf32>
    tpu.vector_store %arg1[%swap3A_30, %swap3A_31, %swap3A_32], %swap3A_35 {strides = array<i32>} : memref<8x3x512xf32, #tpu.memory_space<vmem>>, vector<8x1x512xf32>,
    %swap3A_36 = arith.constant 0 : index
    %swap3A_37 = arith.constant 2 : index
    %swap3A_38 = arith.constant 0 : index
    %swap3A_39 = vector.load %arg1[%swap3A_36, %swap3A_37, %swap3A_38] : memref<8x3x512xf32, #tpu.memory_space<vmem>>, vector<8x1x512xf32>
    %swap3A_40 = vector.shape_cast %swap3A_39 : vector<8x1x512xf32> to vector<8x512xf32>
    %swap3A_41 = vector.shape_cast %scan3A_23#4 : vector<8x512xf32> to vector<8x1x512xf32>
    tpu.vector_store %arg1[%swap3A_36, %swap3A_37, %swap3A_38], %swap3A_41 {strides = array<i32>} : memref<8x3x512xf32, #tpu.memory_space<vmem>>, vector<8x1x512xf32>,
    return
  }
}

module attributes {stable_mosaic.version = 14 : i64} {
  func.func @_bq_body(%arg0: i32, %arg1: memref<1x3x2048xf32, #tpu.memory_space<vmem>>, %arg2: memref<1x512x16xf32, #tpu.memory_space<vmem>>, %arg3: memref<1x512x32xi32, #tpu.memory_space<vmem>>) attributes {dimension_semantics = [#tpu.dimension_semantics<arbitrary>], iteration_bounds = array<i64: 8>, scalar_prefetch = 0 : i64, scratch_operands = 0 : i64, tpu.core_type = #tpu.core_type<tc>, window_params = [{transform_indices = @transform_0, window_bounds = array<i64: 1, 3, 2048>}, {transform_indices = @transform_1, window_bounds = array<i64: 1, 512, 16>}, {transform_indices = @transform_2, window_bounds = array<i64: 1, 512, 32>}]} {
    %get3A = arith.constant 0 : index
    %get3A_0 = arith.constant 0 : index
    %get3A_1 = arith.constant 0 : index
    %get3A_2 = vector.load %arg1[%get3A, %get3A_0, %get3A_1] : memref<1x3x2048xf32, #tpu.memory_space<vmem>>, vector<1x1x2048xf32>
    %get3A_3 = vector.shape_cast %get3A_2 : vector<1x1x2048xf32> to vector<1x2048xf32>
    %get3A_4 = arith.constant 0 : index
    %get3A_5 = arith.constant 1 : index
    %get3A_6 = arith.constant 0 : index
    %get3A_7 = vector.load %arg1[%get3A_4, %get3A_5, %get3A_6] : memref<1x3x2048xf32, #tpu.memory_space<vmem>>, vector<1x1x2048xf32>
    %get3A_8 = vector.shape_cast %get3A_7 : vector<1x1x2048xf32> to vector<1x2048xf32>
    %get3A_9 = arith.constant 0 : index
    %get3A_10 = arith.constant 2 : index
    %get3A_11 = arith.constant 0 : index
    %get3A_12 = vector.load %arg1[%get3A_9, %get3A_10, %get3A_11] : memref<1x3x2048xf32, #tpu.memory_space<vmem>>, vector<1x1x2048xf32>
    %get3A_13 = vector.shape_cast %get3A_12 : vector<1x1x2048xf32> to vector<1x2048xf32>
    %get3A_14 = arith.constant 0 : index
    %get3A_15 = arith.constant 0 : index
    %get3A_16 = arith.constant 0 : index
    %get3A_17 = vector.load %arg2[%get3A_14, %get3A_15, %get3A_16] : memref<1x512x16xf32, #tpu.memory_space<vmem>>, vector<1x512x16xf32>
    %get3A_18 = vector.shape_cast %get3A_17 : vector<1x512x16xf32> to vector<512x16xf32>
    %slice3A = vector.extract_strided_slice %get3A_18 {offsets = [0, 0], sizes = [512, 1], strides = [1, 1]} : vector<512x16xf32> to vector<512x1xf32>
    %slice3A_19 = vector.extract_strided_slice %get3A_18 {offsets = [0, 1], sizes = [512, 1], strides = [1, 1]} : vector<512x16xf32> to vector<512x1xf32>
    %slice3A_20 = vector.extract_strided_slice %get3A_18 {offsets = [0, 2], sizes = [512, 1], strides = [1, 1]} : vector<512x16xf32> to vector<512x1xf32>
    %mul3A = arith.mulf %get3A_3, %get3A_3 : vector<1x2048xf32>
    %mul3A_21 = arith.mulf %get3A_8, %get3A_8 : vector<1x2048xf32>
    %add3A = arith.addf %mul3A, %mul3A_21 : vector<1x2048xf32>
    %mul3A_22 = arith.mulf %get3A_13, %get3A_13 : vector<1x2048xf32>
    %add3A_23 = arith.addf %add3A, %mul3A_22 : vector<1x2048xf32>
    %mul3A_24 = arith.mulf %slice3A, %slice3A : vector<512x1xf32>
    %mul3A_25 = arith.mulf %slice3A_19, %slice3A_19 : vector<512x1xf32>
    %add3A_26 = arith.addf %mul3A_24, %mul3A_25 : vector<512x1xf32>
    %mul3A_27 = arith.mulf %slice3A_20, %slice3A_20 : vector<512x1xf32>
    %add3A_28 = arith.addf %add3A_26, %mul3A_27 : vector<512x1xf32>
    %convert_element_type3A = arith.truncf %slice3A : vector<512x1xf32> to vector<512x1xbf16>
    %convert_element_type3A_29 = arith.extf %convert_element_type3A : vector<512x1xbf16> to vector<512x1xf32>
    %convert_element_type3A_30 = arith.truncf %get3A_3 : vector<1x2048xf32> to vector<1x2048xbf16>
    %convert_element_type3A_31 = arith.extf %convert_element_type3A_30 : vector<1x2048xbf16> to vector<1x2048xf32>
    %mul3A_32 = vector.broadcast %convert_element_type3A_29 : vector<512x1xf32> to vector<512x2048xf32>
    %mul3A_33 = vector.broadcast %convert_element_type3A_31 : vector<1x2048xf32> to vector<512x2048xf32>
    %mul3A_34 = arith.mulf %mul3A_32, %mul3A_33 : vector<512x2048xf32>
    %convert_element_type3A_35 = arith.truncf %slice3A_19 : vector<512x1xf32> to vector<512x1xbf16>
    %convert_element_type3A_36 = arith.extf %convert_element_type3A_35 : vector<512x1xbf16> to vector<512x1xf32>
    %convert_element_type3A_37 = arith.truncf %get3A_8 : vector<1x2048xf32> to vector<1x2048xbf16>
    %convert_element_type3A_38 = arith.extf %convert_element_type3A_37 : vector<1x2048xbf16> to vector<1x2048xf32>
    %mul3A_39 = vector.broadcast %convert_element_type3A_36 : vector<512x1xf32> to vector<512x2048xf32>
    %mul3A_40 = vector.broadcast %convert_element_type3A_38 : vector<1x2048xf32> to vector<512x2048xf32>
    %mul3A_41 = arith.mulf %mul3A_39, %mul3A_40 : vector<512x2048xf32>
    %add3A_42 = arith.addf %mul3A_34, %mul3A_41 : vector<512x2048xf32>
    %convert_element_type3A_43 = arith.truncf %slice3A_20 : vector<512x1xf32> to vector<512x1xbf16>
    %convert_element_type3A_44 = arith.extf %convert_element_type3A_43 : vector<512x1xbf16> to vector<512x1xf32>
    %convert_element_type3A_45 = arith.truncf %get3A_13 : vector<1x2048xf32> to vector<1x2048xbf16>
    %convert_element_type3A_46 = arith.extf %convert_element_type3A_45 : vector<1x2048xbf16> to vector<1x2048xf32>
    %mul3A_47 = vector.broadcast %convert_element_type3A_44 : vector<512x1xf32> to vector<512x2048xf32>
    %mul3A_48 = vector.broadcast %convert_element_type3A_46 : vector<1x2048xf32> to vector<512x2048xf32>
    %mul3A_49 = arith.mulf %mul3A_47, %mul3A_48 : vector<512x2048xf32>
    %add3A_50 = arith.addf %add3A_42, %mul3A_49 : vector<512x2048xf32>
    %add3A_51 = vector.broadcast %add3A_28 : vector<512x1xf32> to vector<512x2048xf32>
    %add3A_52 = vector.broadcast %add3A_23 : vector<1x2048xf32> to vector<512x2048xf32>
    %add3A_53 = arith.addf %add3A_51, %add3A_52 : vector<512x2048xf32>
    %mul3A_54 = arith.constant 2.000000e+00 : f32
    %mul3A_55 = vector.broadcast %mul3A_54 : f32 to vector<512x2048xf32>
    %mul3A_56 = arith.mulf %mul3A_55, %add3A_50 : vector<512x2048xf32>
    %sub3A = arith.subf %add3A_53, %mul3A_56 : vector<512x2048xf32>
    %le3A = arith.constant 4.000000e-02 : f32
    %le3A_57 = vector.broadcast %le3A : f32 to vector<512x2048xf32>
    %le3A_58 = arith.cmpf ole, %sub3A, %le3A_57 : vector<512x2048xf32>
    %iota3A = tpu.iota {dimensions = array<i32: 1>} : vector<1x2048xi32>
    %broadcast_in_dim3A = vector.shape_cast %iota3A : vector<1x2048xi32> to vector<1x2048xi32>
    %broadcast_in_dim3A_59 = vector.broadcast %broadcast_in_dim3A : vector<1x2048xi32> to vector<512x2048xi32>
    %mul3A_60 = arith.constant 2048 : i32
    %mul3A_61 = arith.muli %arg0, %mul3A_60 : i32
    %jit3A = arith.constant 2048 : i32
    %broadcast_in_dim3A_62 = vector.broadcast %jit3A : i32 to vector<512x2048xi32>
    %select_n3A = arith.select %le3A_58, %broadcast_in_dim3A_59, %broadcast_in_dim3A_62 : vector<512x2048xi1>, vector<512x2048xi32>
    %reduce_min3A = arith.constant dense<2147483647> : vector<512xi32>
    %reduce_min3A_63 = vector.multi_reduction <minsi>, %select_n3A, %reduce_min3A [1] : vector<512x2048xi32> to vector<512xi32>
    %broadcast_in_dim3A_64 = vector.shape_cast %reduce_min3A_63 : vector<512xi32> to vector<512x1xi32>
    %add3A_65 = vector.broadcast %mul3A_61 : i32 to vector<512x1xi32>
    %add3A_66 = arith.addi %broadcast_in_dim3A_64, %add3A_65 : vector<512x1xi32>
    %gt3A = vector.broadcast %broadcast_in_dim3A_64 : vector<512x1xi32> to vector<512x2048xi32>
    %gt3A_67 = arith.cmpi sgt, %select_n3A, %gt3A : vector<512x2048xi32>
    %jit3A_68 = arith.constant 2048 : i32
    %broadcast_in_dim3A_69 = vector.broadcast %jit3A_68 : i32 to vector<512x2048xi32>
    %select_n3A_70 = arith.select %gt3A_67, %select_n3A, %broadcast_in_dim3A_69 : vector<512x2048xi1>, vector<512x2048xi32>
    %reduce_min3A_71 = arith.constant dense<2147483647> : vector<512xi32>
    %reduce_min3A_72 = vector.multi_reduction <minsi>, %select_n3A_70, %reduce_min3A_71 [1] : vector<512x2048xi32> to vector<512xi32>
    %broadcast_in_dim3A_73 = vector.shape_cast %reduce_min3A_72 : vector<512xi32> to vector<512x1xi32>
    %ge3A = arith.constant 2048 : i32
    %ge3A_74 = vector.broadcast %ge3A : i32 to vector<512x1xi32>
    %ge3A_75 = arith.cmpi sge, %broadcast_in_dim3A_73, %ge3A_74 : vector<512x1xi32>
    %select_n3A_76 = arith.select %ge3A_75, %broadcast_in_dim3A_64, %broadcast_in_dim3A_73 : vector<512x1xi1>, vector<512x1xi32>
    %add3A_77 = vector.broadcast %mul3A_61 : i32 to vector<512x1xi32>
    %add3A_78 = arith.addi %select_n3A_76, %add3A_77 : vector<512x1xi32>
    %gt3A_79 = vector.broadcast %broadcast_in_dim3A_73 : vector<512x1xi32> to vector<512x2048xi32>
    %gt3A_80 = arith.cmpi sgt, %select_n3A, %gt3A_79 : vector<512x2048xi32>
    %jit3A_81 = arith.constant 2048 : i32
    %broadcast_in_dim3A_82 = vector.broadcast %jit3A_81 : i32 to vector<512x2048xi32>
    %select_n3A_83 = arith.select %gt3A_80, %select_n3A, %broadcast_in_dim3A_82 : vector<512x2048xi1>, vector<512x2048xi32>
    %reduce_min3A_84 = arith.constant dense<2147483647> : vector<512xi32>
    %reduce_min3A_85 = vector.multi_reduction <minsi>, %select_n3A_83, %reduce_min3A_84 [1] : vector<512x2048xi32> to vector<512xi32>
    %broadcast_in_dim3A_86 = vector.shape_cast %reduce_min3A_85 : vector<512xi32> to vector<512x1xi32>
    %ge3A_87 = arith.constant 2048 : i32
    %ge3A_88 = vector.broadcast %ge3A_87 : i32 to vector<512x1xi32>
    %ge3A_89 = arith.cmpi sge, %broadcast_in_dim3A_86, %ge3A_88 : vector<512x1xi32>
    %select_n3A_90 = arith.select %ge3A_89, %broadcast_in_dim3A_64, %broadcast_in_dim3A_86 : vector<512x1xi1>, vector<512x1xi32>
    %add3A_91 = vector.broadcast %mul3A_61 : i32 to vector<512x1xi32>
    %add3A_92 = arith.addi %select_n3A_90, %add3A_91 : vector<512x1xi32>
    %gt3A_93 = vector.broadcast %broadcast_in_dim3A_86 : vector<512x1xi32> to vector<512x2048xi32>
    %gt3A_94 = arith.cmpi sgt, %select_n3A, %gt3A_93 : vector<512x2048xi32>
    %jit3A_95 = arith.constant 2048 : i32
    %broadcast_in_dim3A_96 = vector.broadcast %jit3A_95 : i32 to vector<512x2048xi32>
    %select_n3A_97 = arith.select %gt3A_94, %select_n3A, %broadcast_in_dim3A_96 : vector<512x2048xi1>, vector<512x2048xi32>
    %reduce_min3A_98 = arith.constant dense<2147483647> : vector<512xi32>
    %reduce_min3A_99 = vector.multi_reduction <minsi>, %select_n3A_97, %reduce_min3A_98 [1] : vector<512x2048xi32> to vector<512xi32>
    %broadcast_in_dim3A_100 = vector.shape_cast %reduce_min3A_99 : vector<512xi32> to vector<512x1xi32>
    %ge3A_101 = arith.constant 2048 : i32
    %ge3A_102 = vector.broadcast %ge3A_101 : i32 to vector<512x1xi32>
    %ge3A_103 = arith.cmpi sge, %broadcast_in_dim3A_100, %ge3A_102 : vector<512x1xi32>
    %select_n3A_104 = arith.select %ge3A_103, %broadcast_in_dim3A_64, %broadcast_in_dim3A_100 : vector<512x1xi1>, vector<512x1xi32>
    %add3A_105 = vector.broadcast %mul3A_61 : i32 to vector<512x1xi32>
    %add3A_106 = arith.addi %select_n3A_104, %add3A_105 : vector<512x1xi32>
    %gt3A_107 = vector.broadcast %broadcast_in_dim3A_100 : vector<512x1xi32> to vector<512x2048xi32>
    %gt3A_108 = arith.cmpi sgt, %select_n3A, %gt3A_107 : vector<512x2048xi32>
    %jit3A_109 = arith.constant 2048 : i32
    %broadcast_in_dim3A_110 = vector.broadcast %jit3A_109 : i32 to vector<512x2048xi32>
    %select_n3A_111 = arith.select %gt3A_108, %select_n3A, %broadcast_in_dim3A_110 : vector<512x2048xi1>, vector<512x2048xi32>
    %reduce_min3A_112 = arith.constant dense<2147483647> : vector<512xi32>
    %reduce_min3A_113 = vector.multi_reduction <minsi>, %select_n3A_111, %reduce_min3A_112 [1] : vector<512x2048xi32> to vector<512xi32>
    %broadcast_in_dim3A_114 = vector.shape_cast %reduce_min3A_113 : vector<512xi32> to vector<512x1xi32>
    %ge3A_115 = arith.constant 2048 : i32
    %ge3A_116 = vector.broadcast %ge3A_115 : i32 to vector<512x1xi32>
    %ge3A_117 = arith.cmpi sge, %broadcast_in_dim3A_114, %ge3A_116 : vector<512x1xi32>
    %select_n3A_118 = arith.select %ge3A_117, %broadcast_in_dim3A_64, %broadcast_in_dim3A_114 : vector<512x1xi1>, vector<512x1xi32>
    %add3A_119 = vector.broadcast %mul3A_61 : i32 to vector<512x1xi32>
    %add3A_120 = arith.addi %select_n3A_118, %add3A_119 : vector<512x1xi32>
    %gt3A_121 = vector.broadcast %broadcast_in_dim3A_114 : vector<512x1xi32> to vector<512x2048xi32>
    %gt3A_122 = arith.cmpi sgt, %select_n3A, %gt3A_121 : vector<512x2048xi32>
    %jit3A_123 = arith.constant 2048 : i32
    %broadcast_in_dim3A_124 = vector.broadcast %jit3A_123 : i32 to vector<512x2048xi32>
    %select_n3A_125 = arith.select %gt3A_122, %select_n3A, %broadcast_in_dim3A_124 : vector<512x2048xi1>, vector<512x2048xi32>
    %reduce_min3A_126 = arith.constant dense<2147483647> : vector<512xi32>
    %reduce_min3A_127 = vector.multi_reduction <minsi>, %select_n3A_125, %reduce_min3A_126 [1] : vector<512x2048xi32> to vector<512xi32>
    %broadcast_in_dim3A_128 = vector.shape_cast %reduce_min3A_127 : vector<512xi32> to vector<512x1xi32>
    %ge3A_129 = arith.constant 2048 : i32
    %ge3A_130 = vector.broadcast %ge3A_129 : i32 to vector<512x1xi32>
    %ge3A_131 = arith.cmpi sge, %broadcast_in_dim3A_128, %ge3A_130 : vector<512x1xi32>
    %select_n3A_132 = arith.select %ge3A_131, %broadcast_in_dim3A_64, %broadcast_in_dim3A_128 : vector<512x1xi1>, vector<512x1xi32>
    %add3A_133 = vector.broadcast %mul3A_61 : i32 to vector<512x1xi32>
    %add3A_134 = arith.addi %select_n3A_132, %add3A_133 : vector<512x1xi32>
    %gt3A_135 = vector.broadcast %broadcast_in_dim3A_128 : vector<512x1xi32> to vector<512x2048xi32>
    %gt3A_136 = arith.cmpi sgt, %select_n3A, %gt3A_135 : vector<512x2048xi32>
    %jit3A_137 = arith.constant 2048 : i32
    %broadcast_in_dim3A_138 = vector.broadcast %jit3A_137 : i32 to vector<512x2048xi32>
    %select_n3A_139 = arith.select %gt3A_136, %select_n3A, %broadcast_in_dim3A_138 : vector<512x2048xi1>, vector<512x2048xi32>
    %reduce_min3A_140 = arith.constant dense<2147483647> : vector<512xi32>
    %reduce_min3A_141 = vector.multi_reduction <minsi>, %select_n3A_139, %reduce_min3A_140 [1] : vector<512x2048xi32> to vector<512xi32>
    %broadcast_in_dim3A_142 = vector.shape_cast %reduce_min3A_141 : vector<512xi32> to vector<512x1xi32>
    %ge3A_143 = arith.constant 2048 : i32
    %ge3A_144 = vector.broadcast %ge3A_143 : i32 to vector<512x1xi32>
    %ge3A_145 = arith.cmpi sge, %broadcast_in_dim3A_142, %ge3A_144 : vector<512x1xi32>
    %select_n3A_146 = arith.select %ge3A_145, %broadcast_in_dim3A_64, %broadcast_in_dim3A_142 : vector<512x1xi1>, vector<512x1xi32>
    %add3A_147 = vector.broadcast %mul3A_61 : i32 to vector<512x1xi32>
    %add3A_148 = arith.addi %select_n3A_146, %add3A_147 : vector<512x1xi32>
    %gt3A_149 = vector.broadcast %broadcast_in_dim3A_142 : vector<512x1xi32> to vector<512x2048xi32>
    %gt3A_150 = arith.cmpi sgt, %select_n3A, %gt3A_149 : vector<512x2048xi32>
    %jit3A_151 = arith.constant 2048 : i32
    %broadcast_in_dim3A_152 = vector.broadcast %jit3A_151 : i32 to vector<512x2048xi32>
    %select_n3A_153 = arith.select %gt3A_150, %select_n3A, %broadcast_in_dim3A_152 : vector<512x2048xi1>, vector<512x2048xi32>
    %reduce_min3A_154 = arith.constant dense<2147483647> : vector<512xi32>
    %reduce_min3A_155 = vector.multi_reduction <minsi>, %select_n3A_153, %reduce_min3A_154 [1] : vector<512x2048xi32> to vector<512xi32>
    %broadcast_in_dim3A_156 = vector.shape_cast %reduce_min3A_155 : vector<512xi32> to vector<512x1xi32>
    %ge3A_157 = arith.constant 2048 : i32
    %ge3A_158 = vector.broadcast %ge3A_157 : i32 to vector<512x1xi32>
    %ge3A_159 = arith.cmpi sge, %broadcast_in_dim3A_156, %ge3A_158 : vector<512x1xi32>
    %select_n3A_160 = arith.select %ge3A_159, %broadcast_in_dim3A_64, %broadcast_in_dim3A_156 : vector<512x1xi1>, vector<512x1xi32>
    %add3A_161 = vector.broadcast %mul3A_61 : i32 to vector<512x1xi32>
    %add3A_162 = arith.addi %select_n3A_160, %add3A_161 : vector<512x1xi32>
    %gt3A_163 = vector.broadcast %broadcast_in_dim3A_156 : vector<512x1xi32> to vector<512x2048xi32>
    %gt3A_164 = arith.cmpi sgt, %select_n3A, %gt3A_163 : vector<512x2048xi32>
    %jit3A_165 = arith.constant 2048 : i32
    %broadcast_in_dim3A_166 = vector.broadcast %jit3A_165 : i32 to vector<512x2048xi32>
    %select_n3A_167 = arith.select %gt3A_164, %select_n3A, %broadcast_in_dim3A_166 : vector<512x2048xi1>, vector<512x2048xi32>
    %reduce_min3A_168 = arith.constant dense<2147483647> : vector<512xi32>
    %reduce_min3A_169 = vector.multi_reduction <minsi>, %select_n3A_167, %reduce_min3A_168 [1] : vector<512x2048xi32> to vector<512xi32>
    %broadcast_in_dim3A_170 = vector.shape_cast %reduce_min3A_169 : vector<512xi32> to vector<512x1xi32>
    %ge3A_171 = arith.constant 2048 : i32
    %ge3A_172 = vector.broadcast %ge3A_171 : i32 to vector<512x1xi32>
    %ge3A_173 = arith.cmpi sge, %broadcast_in_dim3A_170, %ge3A_172 : vector<512x1xi32>
    %select_n3A_174 = arith.select %ge3A_173, %broadcast_in_dim3A_64, %broadcast_in_dim3A_170 : vector<512x1xi1>, vector<512x1xi32>
    %add3A_175 = vector.broadcast %mul3A_61 : i32 to vector<512x1xi32>
    %add3A_176 = arith.addi %select_n3A_174, %add3A_175 : vector<512x1xi32>
    %gt3A_177 = vector.broadcast %broadcast_in_dim3A_170 : vector<512x1xi32> to vector<512x2048xi32>
    %gt3A_178 = arith.cmpi sgt, %select_n3A, %gt3A_177 : vector<512x2048xi32>
    %jit3A_179 = arith.constant 2048 : i32
    %broadcast_in_dim3A_180 = vector.broadcast %jit3A_179 : i32 to vector<512x2048xi32>
    %select_n3A_181 = arith.select %gt3A_178, %select_n3A, %broadcast_in_dim3A_180 : vector<512x2048xi1>, vector<512x2048xi32>
    %reduce_min3A_182 = arith.constant dense<2147483647> : vector<512xi32>
    %reduce_min3A_183 = vector.multi_reduction <minsi>, %select_n3A_181, %reduce_min3A_182 [1] : vector<512x2048xi32> to vector<512xi32>
    %broadcast_in_dim3A_184 = vector.shape_cast %reduce_min3A_183 : vector<512xi32> to vector<512x1xi32>
    %ge3A_185 = arith.constant 2048 : i32
    %ge3A_186 = vector.broadcast %ge3A_185 : i32 to vector<512x1xi32>
    %ge3A_187 = arith.cmpi sge, %broadcast_in_dim3A_184, %ge3A_186 : vector<512x1xi32>
    %select_n3A_188 = arith.select %ge3A_187, %broadcast_in_dim3A_64, %broadcast_in_dim3A_184 : vector<512x1xi1>, vector<512x1xi32>
    %add3A_189 = vector.broadcast %mul3A_61 : i32 to vector<512x1xi32>
    %add3A_190 = arith.addi %select_n3A_188, %add3A_189 : vector<512x1xi32>
    %gt3A_191 = vector.broadcast %broadcast_in_dim3A_184 : vector<512x1xi32> to vector<512x2048xi32>
    %gt3A_192 = arith.cmpi sgt, %select_n3A, %gt3A_191 : vector<512x2048xi32>
    %jit3A_193 = arith.constant 2048 : i32
    %broadcast_in_dim3A_194 = vector.broadcast %jit3A_193 : i32 to vector<512x2048xi32>
    %select_n3A_195 = arith.select %gt3A_192, %select_n3A, %broadcast_in_dim3A_194 : vector<512x2048xi1>, vector<512x2048xi32>
    %reduce_min3A_196 = arith.constant dense<2147483647> : vector<512xi32>
    %reduce_min3A_197 = vector.multi_reduction <minsi>, %select_n3A_195, %reduce_min3A_196 [1] : vector<512x2048xi32> to vector<512xi32>
    %broadcast_in_dim3A_198 = vector.shape_cast %reduce_min3A_197 : vector<512xi32> to vector<512x1xi32>
    %ge3A_199 = arith.constant 2048 : i32
    %ge3A_200 = vector.broadcast %ge3A_199 : i32 to vector<512x1xi32>
    %ge3A_201 = arith.cmpi sge, %broadcast_in_dim3A_198, %ge3A_200 : vector<512x1xi32>
    %select_n3A_202 = arith.select %ge3A_201, %broadcast_in_dim3A_64, %broadcast_in_dim3A_198 : vector<512x1xi1>, vector<512x1xi32>
    %add3A_203 = vector.broadcast %mul3A_61 : i32 to vector<512x1xi32>
    %add3A_204 = arith.addi %select_n3A_202, %add3A_203 : vector<512x1xi32>
    %gt3A_205 = vector.broadcast %broadcast_in_dim3A_198 : vector<512x1xi32> to vector<512x2048xi32>
    %gt3A_206 = arith.cmpi sgt, %select_n3A, %gt3A_205 : vector<512x2048xi32>
    %jit3A_207 = arith.constant 2048 : i32
    %broadcast_in_dim3A_208 = vector.broadcast %jit3A_207 : i32 to vector<512x2048xi32>
    %select_n3A_209 = arith.select %gt3A_206, %select_n3A, %broadcast_in_dim3A_208 : vector<512x2048xi1>, vector<512x2048xi32>
    %reduce_min3A_210 = arith.constant dense<2147483647> : vector<512xi32>
    %reduce_min3A_211 = vector.multi_reduction <minsi>, %select_n3A_209, %reduce_min3A_210 [1] : vector<512x2048xi32> to vector<512xi32>
    %broadcast_in_dim3A_212 = vector.shape_cast %reduce_min3A_211 : vector<512xi32> to vector<512x1xi32>
    %ge3A_213 = arith.constant 2048 : i32
    %ge3A_214 = vector.broadcast %ge3A_213 : i32 to vector<512x1xi32>
    %ge3A_215 = arith.cmpi sge, %broadcast_in_dim3A_212, %ge3A_214 : vector<512x1xi32>
    %select_n3A_216 = arith.select %ge3A_215, %broadcast_in_dim3A_64, %broadcast_in_dim3A_212 : vector<512x1xi1>, vector<512x1xi32>
    %add3A_217 = vector.broadcast %mul3A_61 : i32 to vector<512x1xi32>
    %add3A_218 = arith.addi %select_n3A_216, %add3A_217 : vector<512x1xi32>
    %gt3A_219 = vector.broadcast %broadcast_in_dim3A_212 : vector<512x1xi32> to vector<512x2048xi32>
    %gt3A_220 = arith.cmpi sgt, %select_n3A, %gt3A_219 : vector<512x2048xi32>
    %jit3A_221 = arith.constant 2048 : i32
    %broadcast_in_dim3A_222 = vector.broadcast %jit3A_221 : i32 to vector<512x2048xi32>
    %select_n3A_223 = arith.select %gt3A_220, %select_n3A, %broadcast_in_dim3A_222 : vector<512x2048xi1>, vector<512x2048xi32>
    %reduce_min3A_224 = arith.constant dense<2147483647> : vector<512xi32>
    %reduce_min3A_225 = vector.multi_reduction <minsi>, %select_n3A_223, %reduce_min3A_224 [1] : vector<512x2048xi32> to vector<512xi32>
    %broadcast_in_dim3A_226 = vector.shape_cast %reduce_min3A_225 : vector<512xi32> to vector<512x1xi32>
    %ge3A_227 = arith.constant 2048 : i32
    %ge3A_228 = vector.broadcast %ge3A_227 : i32 to vector<512x1xi32>
    %ge3A_229 = arith.cmpi sge, %broadcast_in_dim3A_226, %ge3A_228 : vector<512x1xi32>
    %select_n3A_230 = arith.select %ge3A_229, %broadcast_in_dim3A_64, %broadcast_in_dim3A_226 : vector<512x1xi1>, vector<512x1xi32>
    %add3A_231 = vector.broadcast %mul3A_61 : i32 to vector<512x1xi32>
    %add3A_232 = arith.addi %select_n3A_230, %add3A_231 : vector<512x1xi32>
    %gt3A_233 = vector.broadcast %broadcast_in_dim3A_226 : vector<512x1xi32> to vector<512x2048xi32>
    %gt3A_234 = arith.cmpi sgt, %select_n3A, %gt3A_233 : vector<512x2048xi32>
    %jit3A_235 = arith.constant 2048 : i32
    %broadcast_in_dim3A_236 = vector.broadcast %jit3A_235 : i32 to vector<512x2048xi32>
    %select_n3A_237 = arith.select %gt3A_234, %select_n3A, %broadcast_in_dim3A_236 : vector<512x2048xi1>, vector<512x2048xi32>
    %reduce_min3A_238 = arith.constant dense<2147483647> : vector<512xi32>
    %reduce_min3A_239 = vector.multi_reduction <minsi>, %select_n3A_237, %reduce_min3A_238 [1] : vector<512x2048xi32> to vector<512xi32>
    %broadcast_in_dim3A_240 = vector.shape_cast %reduce_min3A_239 : vector<512xi32> to vector<512x1xi32>
    %ge3A_241 = arith.constant 2048 : i32
    %ge3A_242 = vector.broadcast %ge3A_241 : i32 to vector<512x1xi32>
    %ge3A_243 = arith.cmpi sge, %broadcast_in_dim3A_240, %ge3A_242 : vector<512x1xi32>
    %select_n3A_244 = arith.select %ge3A_243, %broadcast_in_dim3A_64, %broadcast_in_dim3A_240 : vector<512x1xi1>, vector<512x1xi32>
    %add3A_245 = vector.broadcast %mul3A_61 : i32 to vector<512x1xi32>
    %add3A_246 = arith.addi %select_n3A_244, %add3A_245 : vector<512x1xi32>
    %gt3A_247 = vector.broadcast %broadcast_in_dim3A_240 : vector<512x1xi32> to vector<512x2048xi32>
    %gt3A_248 = arith.cmpi sgt, %select_n3A, %gt3A_247 : vector<512x2048xi32>
    %jit3A_249 = arith.constant 2048 : i32
    %broadcast_in_dim3A_250 = vector.broadcast %jit3A_249 : i32 to vector<512x2048xi32>
    %select_n3A_251 = arith.select %gt3A_248, %select_n3A, %broadcast_in_dim3A_250 : vector<512x2048xi1>, vector<512x2048xi32>
    %reduce_min3A_252 = arith.constant dense<2147483647> : vector<512xi32>
    %reduce_min3A_253 = vector.multi_reduction <minsi>, %select_n3A_251, %reduce_min3A_252 [1] : vector<512x2048xi32> to vector<512xi32>
    %broadcast_in_dim3A_254 = vector.shape_cast %reduce_min3A_253 : vector<512xi32> to vector<512x1xi32>
    %ge3A_255 = arith.constant 2048 : i32
    %ge3A_256 = vector.broadcast %ge3A_255 : i32 to vector<512x1xi32>
    %ge3A_257 = arith.cmpi sge, %broadcast_in_dim3A_254, %ge3A_256 : vector<512x1xi32>
    %select_n3A_258 = arith.select %ge3A_257, %broadcast_in_dim3A_64, %broadcast_in_dim3A_254 : vector<512x1xi1>, vector<512x1xi32>
    %add3A_259 = vector.broadcast %mul3A_61 : i32 to vector<512x1xi32>
    %add3A_260 = arith.addi %select_n3A_258, %add3A_259 : vector<512x1xi32>
    %gt3A_261 = vector.broadcast %broadcast_in_dim3A_254 : vector<512x1xi32> to vector<512x2048xi32>
    %gt3A_262 = arith.cmpi sgt, %select_n3A, %gt3A_261 : vector<512x2048xi32>
    %jit3A_263 = arith.constant 2048 : i32
    %broadcast_in_dim3A_264 = vector.broadcast %jit3A_263 : i32 to vector<512x2048xi32>
    %select_n3A_265 = arith.select %gt3A_262, %select_n3A, %broadcast_in_dim3A_264 : vector<512x2048xi1>, vector<512x2048xi32>
    %reduce_min3A_266 = arith.constant dense<2147483647> : vector<512xi32>
    %reduce_min3A_267 = vector.multi_reduction <minsi>, %select_n3A_265, %reduce_min3A_266 [1] : vector<512x2048xi32> to vector<512xi32>
    %broadcast_in_dim3A_268 = vector.shape_cast %reduce_min3A_267 : vector<512xi32> to vector<512x1xi32>
    %ge3A_269 = arith.constant 2048 : i32
    %ge3A_270 = vector.broadcast %ge3A_269 : i32 to vector<512x1xi32>
    %ge3A_271 = arith.cmpi sge, %broadcast_in_dim3A_268, %ge3A_270 : vector<512x1xi32>
    %select_n3A_272 = arith.select %ge3A_271, %broadcast_in_dim3A_64, %broadcast_in_dim3A_268 : vector<512x1xi1>, vector<512x1xi32>
    %add3A_273 = vector.broadcast %mul3A_61 : i32 to vector<512x1xi32>
    %add3A_274 = arith.addi %select_n3A_272, %add3A_273 : vector<512x1xi32>
    %gt3A_275 = vector.broadcast %broadcast_in_dim3A_268 : vector<512x1xi32> to vector<512x2048xi32>
    %gt3A_276 = arith.cmpi sgt, %select_n3A, %gt3A_275 : vector<512x2048xi32>
    %jit3A_277 = arith.constant 2048 : i32
    %broadcast_in_dim3A_278 = vector.broadcast %jit3A_277 : i32 to vector<512x2048xi32>
    %select_n3A_279 = arith.select %gt3A_276, %select_n3A, %broadcast_in_dim3A_278 : vector<512x2048xi1>, vector<512x2048xi32>
    %reduce_min3A_280 = arith.constant dense<2147483647> : vector<512xi32>
    %reduce_min3A_281 = vector.multi_reduction <minsi>, %select_n3A_279, %reduce_min3A_280 [1] : vector<512x2048xi32> to vector<512xi32>
    %broadcast_in_dim3A_282 = vector.shape_cast %reduce_min3A_281 : vector<512xi32> to vector<512x1xi32>
    %ge3A_283 = arith.constant 2048 : i32
    %ge3A_284 = vector.broadcast %ge3A_283 : i32 to vector<512x1xi32>
    %ge3A_285 = arith.cmpi sge, %broadcast_in_dim3A_282, %ge3A_284 : vector<512x1xi32>
    %select_n3A_286 = arith.select %ge3A_285, %broadcast_in_dim3A_64, %broadcast_in_dim3A_282 : vector<512x1xi1>, vector<512x1xi32>
    %add3A_287 = vector.broadcast %mul3A_61 : i32 to vector<512x1xi32>
    %add3A_288 = arith.addi %select_n3A_286, %add3A_287 : vector<512x1xi32>
    %gt3A_289 = vector.broadcast %broadcast_in_dim3A_282 : vector<512x1xi32> to vector<512x2048xi32>
    %gt3A_290 = arith.cmpi sgt, %select_n3A, %gt3A_289 : vector<512x2048xi32>
    %jit3A_291 = arith.constant 2048 : i32
    %broadcast_in_dim3A_292 = vector.broadcast %jit3A_291 : i32 to vector<512x2048xi32>
    %select_n3A_293 = arith.select %gt3A_290, %select_n3A, %broadcast_in_dim3A_292 : vector<512x2048xi1>, vector<512x2048xi32>
    %reduce_min3A_294 = arith.constant dense<2147483647> : vector<512xi32>
    %reduce_min3A_295 = vector.multi_reduction <minsi>, %select_n3A_293, %reduce_min3A_294 [1] : vector<512x2048xi32> to vector<512xi32>
    %broadcast_in_dim3A_296 = vector.shape_cast %reduce_min3A_295 : vector<512xi32> to vector<512x1xi32>
    %ge3A_297 = arith.constant 2048 : i32
    %ge3A_298 = vector.broadcast %ge3A_297 : i32 to vector<512x1xi32>
    %ge3A_299 = arith.cmpi sge, %broadcast_in_dim3A_296, %ge3A_298 : vector<512x1xi32>
    %select_n3A_300 = arith.select %ge3A_299, %broadcast_in_dim3A_64, %broadcast_in_dim3A_296 : vector<512x1xi1>, vector<512x1xi32>
    %add3A_301 = vector.broadcast %mul3A_61 : i32 to vector<512x1xi32>
    %add3A_302 = arith.addi %select_n3A_300, %add3A_301 : vector<512x1xi32>
    %gt3A_303 = vector.broadcast %broadcast_in_dim3A_296 : vector<512x1xi32> to vector<512x2048xi32>
    %gt3A_304 = arith.cmpi sgt, %select_n3A, %gt3A_303 : vector<512x2048xi32>
    %jit3A_305 = arith.constant 2048 : i32
    %broadcast_in_dim3A_306 = vector.broadcast %jit3A_305 : i32 to vector<512x2048xi32>
    %select_n3A_307 = arith.select %gt3A_304, %select_n3A, %broadcast_in_dim3A_306 : vector<512x2048xi1>, vector<512x2048xi32>
    %reduce_min3A_308 = arith.constant dense<2147483647> : vector<512xi32>
    %reduce_min3A_309 = vector.multi_reduction <minsi>, %select_n3A_307, %reduce_min3A_308 [1] : vector<512x2048xi32> to vector<512xi32>
    %broadcast_in_dim3A_310 = vector.shape_cast %reduce_min3A_309 : vector<512xi32> to vector<512x1xi32>
    %ge3A_311 = arith.constant 2048 : i32
    %ge3A_312 = vector.broadcast %ge3A_311 : i32 to vector<512x1xi32>
    %ge3A_313 = arith.cmpi sge, %broadcast_in_dim3A_310, %ge3A_312 : vector<512x1xi32>
    %select_n3A_314 = arith.select %ge3A_313, %broadcast_in_dim3A_64, %broadcast_in_dim3A_310 : vector<512x1xi1>, vector<512x1xi32>
    %add3A_315 = vector.broadcast %mul3A_61 : i32 to vector<512x1xi32>
    %add3A_316 = arith.addi %select_n3A_314, %add3A_315 : vector<512x1xi32>
    %gt3A_317 = vector.broadcast %broadcast_in_dim3A_310 : vector<512x1xi32> to vector<512x2048xi32>
    %gt3A_318 = arith.cmpi sgt, %select_n3A, %gt3A_317 : vector<512x2048xi32>
    %jit3A_319 = arith.constant 2048 : i32
    %broadcast_in_dim3A_320 = vector.broadcast %jit3A_319 : i32 to vector<512x2048xi32>
    %select_n3A_321 = arith.select %gt3A_318, %select_n3A, %broadcast_in_dim3A_320 : vector<512x2048xi1>, vector<512x2048xi32>
    %reduce_min3A_322 = arith.constant dense<2147483647> : vector<512xi32>
    %reduce_min3A_323 = vector.multi_reduction <minsi>, %select_n3A_321, %reduce_min3A_322 [1] : vector<512x2048xi32> to vector<512xi32>
    %broadcast_in_dim3A_324 = vector.shape_cast %reduce_min3A_323 : vector<512xi32> to vector<512x1xi32>
    %ge3A_325 = arith.constant 2048 : i32
    %ge3A_326 = vector.broadcast %ge3A_325 : i32 to vector<512x1xi32>
    %ge3A_327 = arith.cmpi sge, %broadcast_in_dim3A_324, %ge3A_326 : vector<512x1xi32>
    %select_n3A_328 = arith.select %ge3A_327, %broadcast_in_dim3A_64, %broadcast_in_dim3A_324 : vector<512x1xi1>, vector<512x1xi32>
    %add3A_329 = vector.broadcast %mul3A_61 : i32 to vector<512x1xi32>
    %add3A_330 = arith.addi %select_n3A_328, %add3A_329 : vector<512x1xi32>
    %gt3A_331 = vector.broadcast %broadcast_in_dim3A_324 : vector<512x1xi32> to vector<512x2048xi32>
    %gt3A_332 = arith.cmpi sgt, %select_n3A, %gt3A_331 : vector<512x2048xi32>
    %jit3A_333 = arith.constant 2048 : i32
    %broadcast_in_dim3A_334 = vector.broadcast %jit3A_333 : i32 to vector<512x2048xi32>
    %select_n3A_335 = arith.select %gt3A_332, %select_n3A, %broadcast_in_dim3A_334 : vector<512x2048xi1>, vector<512x2048xi32>
    %reduce_min3A_336 = arith.constant dense<2147483647> : vector<512xi32>
    %reduce_min3A_337 = vector.multi_reduction <minsi>, %select_n3A_335, %reduce_min3A_336 [1] : vector<512x2048xi32> to vector<512xi32>
    %broadcast_in_dim3A_338 = vector.shape_cast %reduce_min3A_337 : vector<512xi32> to vector<512x1xi32>
    %ge3A_339 = arith.constant 2048 : i32
    %ge3A_340 = vector.broadcast %ge3A_339 : i32 to vector<512x1xi32>
    %ge3A_341 = arith.cmpi sge, %broadcast_in_dim3A_338, %ge3A_340 : vector<512x1xi32>
    %select_n3A_342 = arith.select %ge3A_341, %broadcast_in_dim3A_64, %broadcast_in_dim3A_338 : vector<512x1xi1>, vector<512x1xi32>
    %add3A_343 = vector.broadcast %mul3A_61 : i32 to vector<512x1xi32>
    %add3A_344 = arith.addi %select_n3A_342, %add3A_343 : vector<512x1xi32>
    %gt3A_345 = vector.broadcast %broadcast_in_dim3A_338 : vector<512x1xi32> to vector<512x2048xi32>
    %gt3A_346 = arith.cmpi sgt, %select_n3A, %gt3A_345 : vector<512x2048xi32>
    %jit3A_347 = arith.constant 2048 : i32
    %broadcast_in_dim3A_348 = vector.broadcast %jit3A_347 : i32 to vector<512x2048xi32>
    %select_n3A_349 = arith.select %gt3A_346, %select_n3A, %broadcast_in_dim3A_348 : vector<512x2048xi1>, vector<512x2048xi32>
    %reduce_min3A_350 = arith.constant dense<2147483647> : vector<512xi32>
    %reduce_min3A_351 = vector.multi_reduction <minsi>, %select_n3A_349, %reduce_min3A_350 [1] : vector<512x2048xi32> to vector<512xi32>
    %broadcast_in_dim3A_352 = vector.shape_cast %reduce_min3A_351 : vector<512xi32> to vector<512x1xi32>
    %ge3A_353 = arith.constant 2048 : i32
    %ge3A_354 = vector.broadcast %ge3A_353 : i32 to vector<512x1xi32>
    %ge3A_355 = arith.cmpi sge, %broadcast_in_dim3A_352, %ge3A_354 : vector<512x1xi32>
    %select_n3A_356 = arith.select %ge3A_355, %broadcast_in_dim3A_64, %broadcast_in_dim3A_352 : vector<512x1xi1>, vector<512x1xi32>
    %add3A_357 = vector.broadcast %mul3A_61 : i32 to vector<512x1xi32>
    %add3A_358 = arith.addi %select_n3A_356, %add3A_357 : vector<512x1xi32>
    %gt3A_359 = vector.broadcast %broadcast_in_dim3A_352 : vector<512x1xi32> to vector<512x2048xi32>
    %gt3A_360 = arith.cmpi sgt, %select_n3A, %gt3A_359 : vector<512x2048xi32>
    %jit3A_361 = arith.constant 2048 : i32
    %broadcast_in_dim3A_362 = vector.broadcast %jit3A_361 : i32 to vector<512x2048xi32>
    %select_n3A_363 = arith.select %gt3A_360, %select_n3A, %broadcast_in_dim3A_362 : vector<512x2048xi1>, vector<512x2048xi32>
    %reduce_min3A_364 = arith.constant dense<2147483647> : vector<512xi32>
    %reduce_min3A_365 = vector.multi_reduction <minsi>, %select_n3A_363, %reduce_min3A_364 [1] : vector<512x2048xi32> to vector<512xi32>
    %broadcast_in_dim3A_366 = vector.shape_cast %reduce_min3A_365 : vector<512xi32> to vector<512x1xi32>
    %ge3A_367 = arith.constant 2048 : i32
    %ge3A_368 = vector.broadcast %ge3A_367 : i32 to vector<512x1xi32>
    %ge3A_369 = arith.cmpi sge, %broadcast_in_dim3A_366, %ge3A_368 : vector<512x1xi32>
    %select_n3A_370 = arith.select %ge3A_369, %broadcast_in_dim3A_64, %broadcast_in_dim3A_366 : vector<512x1xi1>, vector<512x1xi32>
    %add3A_371 = vector.broadcast %mul3A_61 : i32 to vector<512x1xi32>
    %add3A_372 = arith.addi %select_n3A_370, %add3A_371 : vector<512x1xi32>
    %gt3A_373 = vector.broadcast %broadcast_in_dim3A_366 : vector<512x1xi32> to vector<512x2048xi32>
    %gt3A_374 = arith.cmpi sgt, %select_n3A, %gt3A_373 : vector<512x2048xi32>
    %jit3A_375 = arith.constant 2048 : i32
    %broadcast_in_dim3A_376 = vector.broadcast %jit3A_375 : i32 to vector<512x2048xi32>
    %select_n3A_377 = arith.select %gt3A_374, %select_n3A, %broadcast_in_dim3A_376 : vector<512x2048xi1>, vector<512x2048xi32>
    %reduce_min3A_378 = arith.constant dense<2147483647> : vector<512xi32>
    %reduce_min3A_379 = vector.multi_reduction <minsi>, %select_n3A_377, %reduce_min3A_378 [1] : vector<512x2048xi32> to vector<512xi32>
    %broadcast_in_dim3A_380 = vector.shape_cast %reduce_min3A_379 : vector<512xi32> to vector<512x1xi32>
    %ge3A_381 = arith.constant 2048 : i32
    %ge3A_382 = vector.broadcast %ge3A_381 : i32 to vector<512x1xi32>
    %ge3A_383 = arith.cmpi sge, %broadcast_in_dim3A_380, %ge3A_382 : vector<512x1xi32>
    %select_n3A_384 = arith.select %ge3A_383, %broadcast_in_dim3A_64, %broadcast_in_dim3A_380 : vector<512x1xi1>, vector<512x1xi32>
    %add3A_385 = vector.broadcast %mul3A_61 : i32 to vector<512x1xi32>
    %add3A_386 = arith.addi %select_n3A_384, %add3A_385 : vector<512x1xi32>
    %gt3A_387 = vector.broadcast %broadcast_in_dim3A_380 : vector<512x1xi32> to vector<512x2048xi32>
    %gt3A_388 = arith.cmpi sgt, %select_n3A, %gt3A_387 : vector<512x2048xi32>
    %jit3A_389 = arith.constant 2048 : i32
    %broadcast_in_dim3A_390 = vector.broadcast %jit3A_389 : i32 to vector<512x2048xi32>
    %select_n3A_391 = arith.select %gt3A_388, %select_n3A, %broadcast_in_dim3A_390 : vector<512x2048xi1>, vector<512x2048xi32>
    %reduce_min3A_392 = arith.constant dense<2147483647> : vector<512xi32>
    %reduce_min3A_393 = vector.multi_reduction <minsi>, %select_n3A_391, %reduce_min3A_392 [1] : vector<512x2048xi32> to vector<512xi32>
    %broadcast_in_dim3A_394 = vector.shape_cast %reduce_min3A_393 : vector<512xi32> to vector<512x1xi32>
    %ge3A_395 = arith.constant 2048 : i32
    %ge3A_396 = vector.broadcast %ge3A_395 : i32 to vector<512x1xi32>
    %ge3A_397 = arith.cmpi sge, %broadcast_in_dim3A_394, %ge3A_396 : vector<512x1xi32>
    %select_n3A_398 = arith.select %ge3A_397, %broadcast_in_dim3A_64, %broadcast_in_dim3A_394 : vector<512x1xi1>, vector<512x1xi32>
    %add3A_399 = vector.broadcast %mul3A_61 : i32 to vector<512x1xi32>
    %add3A_400 = arith.addi %select_n3A_398, %add3A_399 : vector<512x1xi32>
    %gt3A_401 = vector.broadcast %broadcast_in_dim3A_394 : vector<512x1xi32> to vector<512x2048xi32>
    %gt3A_402 = arith.cmpi sgt, %select_n3A, %gt3A_401 : vector<512x2048xi32>
    %jit3A_403 = arith.constant 2048 : i32
    %broadcast_in_dim3A_404 = vector.broadcast %jit3A_403 : i32 to vector<512x2048xi32>
    %select_n3A_405 = arith.select %gt3A_402, %select_n3A, %broadcast_in_dim3A_404 : vector<512x2048xi1>, vector<512x2048xi32>
    %reduce_min3A_406 = arith.constant dense<2147483647> : vector<512xi32>
    %reduce_min3A_407 = vector.multi_reduction <minsi>, %select_n3A_405, %reduce_min3A_406 [1] : vector<512x2048xi32> to vector<512xi32>
    %broadcast_in_dim3A_408 = vector.shape_cast %reduce_min3A_407 : vector<512xi32> to vector<512x1xi32>
    %ge3A_409 = arith.constant 2048 : i32
    %ge3A_410 = vector.broadcast %ge3A_409 : i32 to vector<512x1xi32>
    %ge3A_411 = arith.cmpi sge, %broadcast_in_dim3A_408, %ge3A_410 : vector<512x1xi32>
    %select_n3A_412 = arith.select %ge3A_411, %broadcast_in_dim3A_64, %broadcast_in_dim3A_408 : vector<512x1xi1>, vector<512x1xi32>
    %add3A_413 = vector.broadcast %mul3A_61 : i32 to vector<512x1xi32>
    %add3A_414 = arith.addi %select_n3A_412, %add3A_413 : vector<512x1xi32>
    %gt3A_415 = vector.broadcast %broadcast_in_dim3A_408 : vector<512x1xi32> to vector<512x2048xi32>
    %gt3A_416 = arith.cmpi sgt, %select_n3A, %gt3A_415 : vector<512x2048xi32>
    %jit3A_417 = arith.constant 2048 : i32
    %broadcast_in_dim3A_418 = vector.broadcast %jit3A_417 : i32 to vector<512x2048xi32>
    %select_n3A_419 = arith.select %gt3A_416, %select_n3A, %broadcast_in_dim3A_418 : vector<512x2048xi1>, vector<512x2048xi32>
    %reduce_min3A_420 = arith.constant dense<2147483647> : vector<512xi32>
    %reduce_min3A_421 = vector.multi_reduction <minsi>, %select_n3A_419, %reduce_min3A_420 [1] : vector<512x2048xi32> to vector<512xi32>
    %broadcast_in_dim3A_422 = vector.shape_cast %reduce_min3A_421 : vector<512xi32> to vector<512x1xi32>
    %ge3A_423 = arith.constant 2048 : i32
    %ge3A_424 = vector.broadcast %ge3A_423 : i32 to vector<512x1xi32>
    %ge3A_425 = arith.cmpi sge, %broadcast_in_dim3A_422, %ge3A_424 : vector<512x1xi32>
    %select_n3A_426 = arith.select %ge3A_425, %broadcast_in_dim3A_64, %broadcast_in_dim3A_422 : vector<512x1xi1>, vector<512x1xi32>
    %add3A_427 = vector.broadcast %mul3A_61 : i32 to vector<512x1xi32>
    %add3A_428 = arith.addi %select_n3A_426, %add3A_427 : vector<512x1xi32>
    %gt3A_429 = vector.broadcast %broadcast_in_dim3A_422 : vector<512x1xi32> to vector<512x2048xi32>
    %gt3A_430 = arith.cmpi sgt, %select_n3A, %gt3A_429 : vector<512x2048xi32>
    %jit3A_431 = arith.constant 2048 : i32
    %broadcast_in_dim3A_432 = vector.broadcast %jit3A_431 : i32 to vector<512x2048xi32>
    %select_n3A_433 = arith.select %gt3A_430, %select_n3A, %broadcast_in_dim3A_432 : vector<512x2048xi1>, vector<512x2048xi32>
    %reduce_min3A_434 = arith.constant dense<2147483647> : vector<512xi32>
    %reduce_min3A_435 = vector.multi_reduction <minsi>, %select_n3A_433, %reduce_min3A_434 [1] : vector<512x2048xi32> to vector<512xi32>
    %broadcast_in_dim3A_436 = vector.shape_cast %reduce_min3A_435 : vector<512xi32> to vector<512x1xi32>
    %ge3A_437 = arith.constant 2048 : i32
    %ge3A_438 = vector.broadcast %ge3A_437 : i32 to vector<512x1xi32>
    %ge3A_439 = arith.cmpi sge, %broadcast_in_dim3A_436, %ge3A_438 : vector<512x1xi32>
    %select_n3A_440 = arith.select %ge3A_439, %broadcast_in_dim3A_64, %broadcast_in_dim3A_436 : vector<512x1xi1>, vector<512x1xi32>
    %add3A_441 = vector.broadcast %mul3A_61 : i32 to vector<512x1xi32>
    %add3A_442 = arith.addi %select_n3A_440, %add3A_441 : vector<512x1xi32>
    %gt3A_443 = vector.broadcast %broadcast_in_dim3A_436 : vector<512x1xi32> to vector<512x2048xi32>
    %gt3A_444 = arith.cmpi sgt, %select_n3A, %gt3A_443 : vector<512x2048xi32>
    %jit3A_445 = arith.constant 2048 : i32
    %broadcast_in_dim3A_446 = vector.broadcast %jit3A_445 : i32 to vector<512x2048xi32>
    %select_n3A_447 = arith.select %gt3A_444, %select_n3A, %broadcast_in_dim3A_446 : vector<512x2048xi1>, vector<512x2048xi32>
    %reduce_min3A_448 = arith.constant dense<2147483647> : vector<512xi32>
    %reduce_min3A_449 = vector.multi_reduction <minsi>, %select_n3A_447, %reduce_min3A_448 [1] : vector<512x2048xi32> to vector<512xi32>
    %broadcast_in_dim3A_450 = vector.shape_cast %reduce_min3A_449 : vector<512xi32> to vector<512x1xi32>
    %ge3A_451 = arith.constant 2048 : i32
    %ge3A_452 = vector.broadcast %ge3A_451 : i32 to vector<512x1xi32>
    %ge3A_453 = arith.cmpi sge, %broadcast_in_dim3A_450, %ge3A_452 : vector<512x1xi32>
    %select_n3A_454 = arith.select %ge3A_453, %broadcast_in_dim3A_64, %broadcast_in_dim3A_450 : vector<512x1xi1>, vector<512x1xi32>
    %add3A_455 = vector.broadcast %mul3A_61 : i32 to vector<512x1xi32>
    %add3A_456 = arith.addi %select_n3A_454, %add3A_455 : vector<512x1xi32>
    %gt3A_457 = vector.broadcast %broadcast_in_dim3A_450 : vector<512x1xi32> to vector<512x2048xi32>
    %gt3A_458 = arith.cmpi sgt, %select_n3A, %gt3A_457 : vector<512x2048xi32>
    %jit3A_459 = arith.constant 2048 : i32
    %broadcast_in_dim3A_460 = vector.broadcast %jit3A_459 : i32 to vector<512x2048xi32>
    %select_n3A_461 = arith.select %gt3A_458, %select_n3A, %broadcast_in_dim3A_460 : vector<512x2048xi1>, vector<512x2048xi32>
    %reduce_min3A_462 = arith.constant dense<2147483647> : vector<512xi32>
    %reduce_min3A_463 = vector.multi_reduction <minsi>, %select_n3A_461, %reduce_min3A_462 [1] : vector<512x2048xi32> to vector<512xi32>
    %broadcast_in_dim3A_464 = vector.shape_cast %reduce_min3A_463 : vector<512xi32> to vector<512x1xi32>
    %ge3A_465 = arith.constant 2048 : i32
    %ge3A_466 = vector.broadcast %ge3A_465 : i32 to vector<512x1xi32>
    %ge3A_467 = arith.cmpi sge, %broadcast_in_dim3A_464, %ge3A_466 : vector<512x1xi32>
    %select_n3A_468 = arith.select %ge3A_467, %broadcast_in_dim3A_64, %broadcast_in_dim3A_464 : vector<512x1xi1>, vector<512x1xi32>
    %add3A_469 = vector.broadcast %mul3A_61 : i32 to vector<512x1xi32>
    %add3A_470 = arith.addi %select_n3A_468, %add3A_469 : vector<512x1xi32>
    %gt3A_471 = vector.broadcast %broadcast_in_dim3A_464 : vector<512x1xi32> to vector<512x2048xi32>
    %gt3A_472 = arith.cmpi sgt, %select_n3A, %gt3A_471 : vector<512x2048xi32>
    %jit3A_473 = arith.constant 2048 : i32
    %broadcast_in_dim3A_474 = vector.broadcast %jit3A_473 : i32 to vector<512x2048xi32>
    %select_n3A_475 = arith.select %gt3A_472, %select_n3A, %broadcast_in_dim3A_474 : vector<512x2048xi1>, vector<512x2048xi32>
    %reduce_min3A_476 = arith.constant dense<2147483647> : vector<512xi32>
    %reduce_min3A_477 = vector.multi_reduction <minsi>, %select_n3A_475, %reduce_min3A_476 [1] : vector<512x2048xi32> to vector<512xi32>
    %broadcast_in_dim3A_478 = vector.shape_cast %reduce_min3A_477 : vector<512xi32> to vector<512x1xi32>
    %ge3A_479 = arith.constant 2048 : i32
    %ge3A_480 = vector.broadcast %ge3A_479 : i32 to vector<512x1xi32>
    %ge3A_481 = arith.cmpi sge, %broadcast_in_dim3A_478, %ge3A_480 : vector<512x1xi32>
    %select_n3A_482 = arith.select %ge3A_481, %broadcast_in_dim3A_64, %broadcast_in_dim3A_478 : vector<512x1xi1>, vector<512x1xi32>
    %add3A_483 = vector.broadcast %mul3A_61 : i32 to vector<512x1xi32>
    %add3A_484 = arith.addi %select_n3A_482, %add3A_483 : vector<512x1xi32>
    %gt3A_485 = vector.broadcast %broadcast_in_dim3A_478 : vector<512x1xi32> to vector<512x2048xi32>
    %gt3A_486 = arith.cmpi sgt, %select_n3A, %gt3A_485 : vector<512x2048xi32>
    %jit3A_487 = arith.constant 2048 : i32
    %broadcast_in_dim3A_488 = vector.broadcast %jit3A_487 : i32 to vector<512x2048xi32>
    %select_n3A_489 = arith.select %gt3A_486, %select_n3A, %broadcast_in_dim3A_488 : vector<512x2048xi1>, vector<512x2048xi32>
    %reduce_min3A_490 = arith.constant dense<2147483647> : vector<512xi32>
    %reduce_min3A_491 = vector.multi_reduction <minsi>, %select_n3A_489, %reduce_min3A_490 [1] : vector<512x2048xi32> to vector<512xi32>
    %broadcast_in_dim3A_492 = vector.shape_cast %reduce_min3A_491 : vector<512xi32> to vector<512x1xi32>
    %ge3A_493 = arith.constant 2048 : i32
    %ge3A_494 = vector.broadcast %ge3A_493 : i32 to vector<512x1xi32>
    %ge3A_495 = arith.cmpi sge, %broadcast_in_dim3A_492, %ge3A_494 : vector<512x1xi32>
    %select_n3A_496 = arith.select %ge3A_495, %broadcast_in_dim3A_64, %broadcast_in_dim3A_492 : vector<512x1xi1>, vector<512x1xi32>
    %add3A_497 = vector.broadcast %mul3A_61 : i32 to vector<512x1xi32>
    %add3A_498 = arith.addi %select_n3A_496, %add3A_497 : vector<512x1xi32>
    %concatenate3A = tpu.concatenate %add3A_66, %add3A_78, %add3A_92, %add3A_106, %add3A_120, %add3A_134, %add3A_148, %add3A_162, %add3A_176, %add3A_190, %add3A_204, %add3A_218, %add3A_232, %add3A_246, %add3A_260, %add3A_274, %add3A_288, %add3A_302, %add3A_316, %add3A_330, %add3A_344, %add3A_358, %add3A_372, %add3A_386, %add3A_400, %add3A_414, %add3A_428, %add3A_442, %add3A_456, %add3A_470, %add3A_484, %add3A_498 in 1 : vector<512x1xi32>, vector<512x1xi32>, vector<512x1xi32>, vector<512x1xi32>, vector<512x1xi32>, vector<512x1xi32>, vector<512x1xi32>, vector<512x1xi32>, vector<512x1xi32>, vector<512x1xi32>, vector<512x1xi32>, vector<512x1xi32>, vector<512x1xi32>, vector<512x1xi32>, vector<512x1xi32>, vector<512x1xi32>, vector<512x1xi32>, vector<512x1xi32>, vector<512x1xi32>, vector<512x1xi32>, vector<512x1xi32>, vector<512x1xi32>, vector<512x1xi32>, vector<512x1xi32>, vector<512x1xi32>, vector<512x1xi32>, vector<512x1xi32>, vector<512x1xi32>, vector<512x1xi32>, vector<512x1xi32>, vector<512x1xi32>, vector<512x1xi32> -> vector<512x32xi32>
    %swap3A = arith.constant 0 : index
    %swap3A_499 = arith.constant 0 : index
    %swap3A_500 = arith.constant 0 : index
    %swap3A_501 = vector.load %arg3[%swap3A, %swap3A_499, %swap3A_500] : memref<1x512x32xi32, #tpu.memory_space<vmem>>, vector<1x512x32xi32>
    %swap3A_502 = vector.shape_cast %swap3A_501 : vector<1x512x32xi32> to vector<512x32xi32>
    %swap3A_503 = vector.shape_cast %concatenate3A : vector<512x32xi32> to vector<1x512x32xi32>
    tpu.vector_store %arg3[%swap3A, %swap3A_499, %swap3A_500], %swap3A_503 {strides = array<i32>} : memref<1x512x32xi32, #tpu.memory_space<vmem>>, vector<1x512x32xi32>,
    return
  }
  func.func @transform_0(%arg0: i32) -> (i32, i32, i32) {
    %c0_i32 = arith.constant 0 : i32
    %c0_i32_0 = arith.constant 0 : i32
    %c0_i32_1 = arith.constant 0 : i32
    return %arg0, %c0_i32, %c0_i32_0 : i32, i32, i32
  }
  func.func @transform_1(%arg0: i32) -> (i32, i32, i32) {
    %c0_i32 = arith.constant 0 : i32
    %c0_i32_0 = arith.constant 0 : i32
    %c0_i32_1 = arith.constant 0 : i32
    return %arg0, %c0_i32, %c0_i32_0 : i32, i32, i32
  }
  func.func @transform_2(%arg0: i32) -> (i32, i32, i32) {
    %c0_i32 = arith.constant 0 : i32
    %c0_i32_0 = arith.constant 0 : i32
    %c0_i32_1 = arith.constant 0 : i32
    return %arg0, %c0_i32, %c0_i32_0 : i32, i32, i32
  }
}

module attributes {stable_mosaic.version = 14 : i64} {
  func.func @_mlp_body(%arg0: i32, %arg1: memref<2048x128xf32, #tpu.memory_space<vmem>>, %arg2: memref<64x16xf32, #tpu.memory_space<vmem>>, %arg3: memref<128x64xf32, #tpu.memory_space<vmem>>, %arg4: memref<16x64xf32, #tpu.memory_space<vmem>>, %arg5: memref<1x64xf32, #tpu.memory_space<vmem>>, %arg6: memref<64x64xf32, #tpu.memory_space<vmem>>, %arg7: memref<1x64xf32, #tpu.memory_space<vmem>>, %arg8: memref<64x128xf32, #tpu.memory_space<vmem>>, %arg9: memref<1x128xf32, #tpu.memory_space<vmem>>, %arg10: memref<64x128xf32, #tpu.memory_space<vmem>>) attributes {dimension_semantics = [#tpu.dimension_semantics<arbitrary>], iteration_bounds = array<i64: 64>, scalar_prefetch = 0 : i64, scratch_operands = 0 : i64, tpu.core_type = #tpu.core_type<tc>, window_params = [{transform_indices = @transform_0, window_bounds = array<i64: 2048, 128>}, {transform_indices = @transform_1, window_bounds = array<i64: 64, 16>}, {pipeline_mode = #tpu.pipeline_mode<synchronous>, transform_indices = @transform_2, window_bounds = array<i64: 128, 64>}, {pipeline_mode = #tpu.pipeline_mode<synchronous>, transform_indices = @transform_3, window_bounds = array<i64: 16, 64>}, {pipeline_mode = #tpu.pipeline_mode<synchronous>, transform_indices = @transform_4, window_bounds = array<i64: 1, 64>}, {pipeline_mode = #tpu.pipeline_mode<synchronous>, transform_indices = @transform_5, window_bounds = array<i64: 64, 64>}, {pipeline_mode = #tpu.pipeline_mode<synchronous>, transform_indices = @transform_6, window_bounds = array<i64: 1, 64>}, {pipeline_mode = #tpu.pipeline_mode<synchronous>, transform_indices = @transform_7, window_bounds = array<i64: 64, 128>}, {pipeline_mode = #tpu.pipeline_mode<synchronous>, transform_indices = @transform_8, window_bounds = array<i64: 1, 128>}, {transform_indices = @transform_9, window_bounds = array<i64: 64, 128>}]} {
    %get3A = arith.constant 0 : index
    %get3A_0 = arith.constant 0 : index
    %get3A_1 = vector.load %arg1[%get3A, %get3A_0] : memref<2048x128xf32, #tpu.memory_space<vmem>>, vector<2048x128xf32>
    %get3A_2 = arith.constant 0 : index
    %get3A_3 = arith.constant 0 : index
    %get3A_4 = vector.load %arg2[%get3A_2, %get3A_3] : memref<64x16xf32, #tpu.memory_space<vmem>>, vector<64x16xf32>
    %get3A_5 = arith.constant 0 : index
    %get3A_6 = arith.constant 0 : index
    %get3A_7 = vector.load %arg4[%get3A_5, %get3A_6] : memref<16x64xf32, #tpu.memory_space<vmem>>, vector<16x64xf32>
    %dot_general3A = arith.constant dense<0.000000e+00> : vector<64x64xf32>
    %dot_general3A_8 = tpu.matmul %get3A_4, %get3A_7, %dot_general3A {dimension_numbers = #tpu.dot_dimension_numbers<[1], [0], [0], [1], [0, 0, 1, 1], [], []>, transpose_lhs_hint = false} : vector<64x16xf32>, vector<16x64xf32>, vector<64x64xf32> -> vector<64x64xf32>
    %get3A_9 = arith.constant 0 : index
    %get3A_10 = arith.constant 0 : index
    %get3A_11 = vector.load %arg3[%get3A_9, %get3A_10] : memref<128x64xf32, #tpu.memory_space<vmem>>, vector<128x64xf32>
    %dot_general3A_12 = arith.constant dense<0.000000e+00> : vector<2048x64xf32>
    %dot_general3A_13 = tpu.matmul %get3A_1, %get3A_11, %dot_general3A_12 {dimension_numbers = #tpu.dot_dimension_numbers<[1], [0], [0], [1], [0, 0, 1, 1], [], []>, transpose_lhs_hint = false} : vector<2048x128xf32>, vector<128x64xf32>, vector<2048x64xf32> -> vector<2048x64xf32>
    %get3A_14 = arith.constant 0 : index
    %get3A_15 = arith.constant 0 : index
    %get3A_16 = vector.load %arg5[%get3A_14, %get3A_15] : memref<1x64xf32, #tpu.memory_space<vmem>>, vector<1x64xf32>
    %add3A = vector.broadcast %get3A_16 : vector<1x64xf32> to vector<2048x64xf32>
    %add3A_17 = arith.addf %dot_general3A_13, %add3A : vector<2048x64xf32>
    %reshape3A = vector.shape_cast %add3A_17 : vector<2048x64xf32> to vector<64x32x64xf32>
    %broadcast_in_dim3A = vector.shape_cast %dot_general3A_8 : vector<64x64xf32> to vector<64x1x64xf32>
    %sub3A = vector.broadcast %broadcast_in_dim3A : vector<64x1x64xf32> to vector<64x32x64xf32>
    %sub3A_18 = arith.subf %reshape3A, %sub3A : vector<64x32x64xf32>
    %max3A = arith.constant 0.000000e+00 : f32
    %max3A_19 = vector.broadcast %max3A : f32 to vector<64x32x64xf32>
    %max3A_20 = arith.maximumf %sub3A_18, %max3A_19 : vector<64x32x64xf32>
    %reshape3A_21 = vector.shape_cast %max3A_20 : vector<64x32x64xf32> to vector<2048x64xf32>
    %get3A_22 = arith.constant 0 : index
    %get3A_23 = arith.constant 0 : index
    %get3A_24 = vector.load %arg6[%get3A_22, %get3A_23] : memref<64x64xf32, #tpu.memory_space<vmem>>, vector<64x64xf32>
    %dot_general3A_25 = arith.constant dense<0.000000e+00> : vector<2048x64xf32>
    %dot_general3A_26 = tpu.matmul %reshape3A_21, %get3A_24, %dot_general3A_25 {dimension_numbers = #tpu.dot_dimension_numbers<[1], [0], [0], [1], [0, 0, 1, 1], [], []>, transpose_lhs_hint = false} : vector<2048x64xf32>, vector<64x64xf32>, vector<2048x64xf32> -> vector<2048x64xf32>
    %get3A_27 = arith.constant 0 : index
    %get3A_28 = arith.constant 0 : index
    %get3A_29 = vector.load %arg7[%get3A_27, %get3A_28] : memref<1x64xf32, #tpu.memory_space<vmem>>, vector<1x64xf32>
    %add3A_30 = vector.broadcast %get3A_29 : vector<1x64xf32> to vector<2048x64xf32>
    %add3A_31 = arith.addf %dot_general3A_26, %add3A_30 : vector<2048x64xf32>
    %max3A_32 = arith.constant 0.000000e+00 : f32
    %max3A_33 = vector.broadcast %max3A_32 : f32 to vector<2048x64xf32>
    %max3A_34 = arith.maximumf %add3A_31, %max3A_33 : vector<2048x64xf32>
    %get3A_35 = arith.constant 0 : index
    %get3A_36 = arith.constant 0 : index
    %get3A_37 = vector.load %arg8[%get3A_35, %get3A_36] : memref<64x128xf32, #tpu.memory_space<vmem>>, vector<64x128xf32>
    %dot_general3A_38 = arith.constant dense<0.000000e+00> : vector<2048x128xf32>
    %dot_general3A_39 = tpu.matmul %max3A_34, %get3A_37, %dot_general3A_38 {dimension_numbers = #tpu.dot_dimension_numbers<[1], [0], [0], [1], [0, 0, 1, 1], [], []>, transpose_lhs_hint = false} : vector<2048x64xf32>, vector<64x128xf32>, vector<2048x128xf32> -> vector<2048x128xf32>
    %get3A_40 = arith.constant 0 : index
    %get3A_41 = arith.constant 0 : index
    %get3A_42 = vector.load %arg9[%get3A_40, %get3A_41] : memref<1x128xf32, #tpu.memory_space<vmem>>, vector<1x128xf32>
    %add3A_43 = vector.broadcast %get3A_42 : vector<1x128xf32> to vector<2048x128xf32>
    %add3A_44 = arith.addf %dot_general3A_39, %add3A_43 : vector<2048x128xf32>
    %max3A_45 = arith.constant 0.000000e+00 : f32
    %max3A_46 = vector.broadcast %max3A_45 : f32 to vector<2048x128xf32>
    %max3A_47 = arith.maximumf %add3A_44, %max3A_46 : vector<2048x128xf32>
    %reshape3A_48 = vector.shape_cast %max3A_47 : vector<2048x128xf32> to vector<64x32x128xf32>
    %reduce_max3A = arith.constant dense<0xFF800000> : vector<64x128xf32>
    %reduce_max3A_49 = vector.multi_reduction <maximumf>, %reshape3A_48, %reduce_max3A [1] : vector<64x32x128xf32> to vector<64x128xf32>
    %swap3A = arith.constant 0 : index
    %swap3A_50 = arith.constant 0 : index
    %swap3A_51 = vector.load %arg10[%swap3A, %swap3A_50] : memref<64x128xf32, #tpu.memory_space<vmem>>, vector<64x128xf32>
    tpu.vector_store %arg10[%swap3A, %swap3A_50], %reduce_max3A_49 {strides = array<i32>} : memref<64x128xf32, #tpu.memory_space<vmem>>, vector<64x128xf32>,
    return
  }
  func.func @transform_0(%arg0: i32) -> (i32, i32) {
    %c0_i32 = arith.constant 0 : i32
    %c0_i32_0 = arith.constant 0 : i32
    return %arg0, %c0_i32 : i32, i32
  }
  func.func @transform_1(%arg0: i32) -> (i32, i32) {
    %c0_i32 = arith.constant 0 : i32
    %c0_i32_0 = arith.constant 0 : i32
    return %arg0, %c0_i32 : i32, i32
  }
  func.func @transform_2(%arg0: i32) -> (i32, i32) {
    %c0_i32 = arith.constant 0 : i32
    %c0_i32_0 = arith.constant 0 : i32
    %c0_i32_1 = arith.constant 0 : i32
    return %c0_i32, %c0_i32_0 : i32, i32
  }
  func.func @transform_3(%arg0: i32) -> (i32, i32) {
    %c0_i32 = arith.constant 0 : i32
    %c0_i32_0 = arith.constant 0 : i32
    %c0_i32_1 = arith.constant 0 : i32
    return %c0_i32, %c0_i32_0 : i32, i32
  }
  func.func @transform_4(%arg0: i32) -> (i32, i32) {
    %c0_i32 = arith.constant 0 : i32
    %c0_i32_0 = arith.constant 0 : i32
    %c0_i32_1 = arith.constant 0 : i32
    return %c0_i32, %c0_i32_0 : i32, i32
  }
  func.func @transform_5(%arg0: i32) -> (i32, i32) {
    %c0_i32 = arith.constant 0 : i32
    %c0_i32_0 = arith.constant 0 : i32
    %c0_i32_1 = arith.constant 0 : i32
    return %c0_i32, %c0_i32_0 : i32, i32
  }
  func.func @transform_6(%arg0: i32) -> (i32, i32) {
    %c0_i32 = arith.constant 0 : i32
    %c0_i32_0 = arith.constant 0 : i32
    %c0_i32_1 = arith.constant 0 : i32
    return %c0_i32, %c0_i32_0 : i32, i32
  }
  func.func @transform_7(%arg0: i32) -> (i32, i32) {
    %c0_i32 = arith.constant 0 : i32
    %c0_i32_0 = arith.constant 0 : i32
    %c0_i32_1 = arith.constant 0 : i32
    return %c0_i32, %c0_i32_0 : i32, i32
  }
  func.func @transform_8(%arg0: i32) -> (i32, i32) {
    %c0_i32 = arith.constant 0 : i32
    %c0_i32_0 = arith.constant 0 : i32
    %c0_i32_1 = arith.constant 0 : i32
    return %c0_i32, %c0_i32_0 : i32, i32
  }
  func.func @transform_9(%arg0: i32) -> (i32, i32) {
    %c0_i32 = arith.constant 0 : i32
    %c0_i32_0 = arith.constant 0 : i32
    return %arg0, %c0_i32 : i32, i32
  }
}

</mosaic_0001>

<sc_bundles>
// kernel: kernel.6.cloned.1.call-start
scs
__scs_entry_jumppad:
0x0: {  	(pc) =	sbr.rel $0x88, $3  }
0x1: {  	(tag) =	ssettag $0x0;
	lr =	simm.s32 $0x1  }
0x2: {  	[smem:$0x3F93] =	sst lr;
	_ =	strace $0xD0000000  }
0x3: {  	_ = 	snop  }
0x4: {  	_ = 	snop  }
0x5: {  	_ = 	snop  }
0x6: {  	_ = 	snop  }
0x7: {  	_ = 	snop  }
__scs_overlays_trampoline_lowered:
0x8: {  	[smem:$0x3FA2] =	sst s0  }
0x9: {  	[smem:$0x3FA3] =	sst s1  }
0xa: {  	[smem:$0x3FA4] =	sst s2  }
0xb: {  	[smem:$0x3FA5] =	sst s3  }
0xc: {  	[smem:$0x3FA6] =	sst s4  }
0xd: {  	[smem:$0x3FA7] =	sst s5  }
0xe: {  	[smem:$0x3FA8] =	sst s6  }
0xf: {  	[smem:$0x3FA9] =	sst s7  }
0x10: {  	[smem:$0x3FAA] =	sst s8  }
0x11: {  	[smem:$0x3FAB] =	sst s9;
	s0 =	simm.s32 @!p0 $0x0  }
0x12: {  	s1 =	sld [smem:$0x3F91];
	s0 =	simm.s32 @p0 $0x1  }
0x13: {  	[smem:$0x3FAC] =	sst s0;
	s0 =	simm.s32 @!p1 $0x0  }
0x14: {  	s2 =	sld [smem:$0x3F90];
	s0 =	simm.s32 @p1 $0x1  }
0x15: {  	[smem:$0x3FAD] =	sst s0;
	s0 =	simm.s32 @!p2 $0x0  }
0x16: {  	s3 =	sld [smem:$0x3FDB];
	s0 =	simm.s32 @p2 $0x1  }
0x17: {  	s4 =	simm.s32 $0x1BF5;
	[smem:$0x3FAF] =	sst s0  }
0x18: {  	s0 =	sld [smem:$0x3F92];
	_ =	swait.ge [sflag:s4], $0x0  }
0x19: {  	s7 =	sld [smem:$0x3F93]  }
0x1a: {  	s8 =	sadd.s32 $0xFFFFE003, lr  }
0x1b: {  	s9 =	sadd.s32 $0xFFFFFEF7, lr;
	s5 =	simm.s32 $0xFFFFFFFF;
	p2 =	slt.u32 s8, $0xFFFFF086  }
0x1c: {  	p1 =	slt.u32 s9, $0xF7A;
	s5 =	simm.s32 @!p2 $0x0  }
0x1d: {  	s5 =	simm.s32 @p1 $0x1;
	p0 =	seq.s32 s7, s2  }
0x1e: {  	s7 =	smul.u32 @!p0 $0xF7A, s2;
	p2 =	seq.s32 @!p0 s5, $0x0  }
0x1f: {  	s9 =	smul.u32 $0xF7A, s1;
	s8 =	simm.s32 @!p0 $0x1BF5;
	p2 =	por !p2, p0  }
0x20: {  	[sflag:s8] =	ssyncset.s32 @!p0 $0xFFFFF086;
	s6 =	sadd.s32 @!p0 s3, s7;
	s7 =	simm.s32 @!p0 $0x108  }
0x21: {  	s3 =	sadd.s32 s3, s9;
	s6 =	sadd.s32 @!p0 $0x88, s6;
	s7 =	simm.s32 @p2 $0x1082  }
0x22: {  	[simem:s7], [sflag:s8] =	dma.local @!p0 [hbm:s6], $0xF7A  }
0x23: {  	s9 =	sor.u32 $0xD0000000, s2;
	s6 =	simm.s32 $0x108;
	_ =	swait.ge @!p0 [sflag:s8], $0x0  }
0x24: {  	s3 =	sadd.s32 $0x88, s3;
	s6 =	simm.s32 @!p1 $0x1082;
	[sflag:s4] =	ssyncset.s32 $0xFFFFF086  }
0x25: {  	[simem:s6], [sflag:s4] =	dma.local [hbm:s3], $0xF7A  }
0x26: {  	[smem:$0x3F93] =	sst s1;
	(tag) =	ssettag s2;
	_ =	strace s9  }
0x27: {  	s1 =	sld [smem:$0x3FA3]  }
0x28: {  	s2 =	sld [smem:$0x3FA4]  }
0x29: {  	s4 =	sld [smem:$0x3FA6]  }
0x2a: {  	p0 =	seq.s32 s5, $0x0;
	s5 =	sld [smem:$0x3FA7]  }
0x2b: {  	s6 =	sld [smem:$0x3FA8]  }
0x2c: {  	s7 =	sld [smem:$0x3FA9]  }
0x2d: {  	s3 =	simm.s32 $0x108;
	s8 =	sld [smem:$0x3FAA]  }
0x2e: {  	s3 =	simm.s32 @!p0 $0x1082;
	s9 =	sld [smem:$0x3FAB]  }
0x2f: {  	lr =	sadd.s32 s0, s3;
	s0 =	sld [smem:$0x3FA2]  }
0x30: {  	s3 =	sld [smem:$0x3FA5]  }
0x31: {  	[smem:$0x3FAE] =	sst s10  }
0x32: {  	s10 =	sld [smem:$0x3FAC];
	_ =	sdelay $0x3  }
0x33: {  	p0 =	seq.s32 s10, $0x1;
	s10 =	sld [smem:$0x3FAE];
	_ =	sdelay $0x3  }
0x34: {  	[smem:$0x3FAE] =	sst s10  }
0x35: {  	s10 =	sld [smem:$0x3FAD];
	_ =	sdelay $0x3  }
0x36: {  	p1 =	seq.s32 s10, $0x1;
	s10 =	sld [smem:$0x3FAE];
	_ =	sdelay $0x3  }
0x37: {  	[smem:$0x3FAE] =	sst s10  }
0x38: {  	s10 =	sld [smem:$0x3FAF]  }
0x39: {  	_ = 	snop;
	(pc) =	sbr.ind lr, $3  }
0x3a: {  	_ = 	snop  }
0x3b: {  	_ = 	snop  }
0x3c: {  	p2 =	seq.s32 s10, $0x1;
	s10 =	sld [smem:$0x3FAE]  }
0x3d: {  	_ =	shalt  }
0x3e: {  	_ =	shalt  }
0x3f: {  	_ =	shalt  }
0x40: {  	_ =	shalt  }
0x41: {  	_ =	shalt  }
0x42: {  	_ =	shalt  }
0x43: {  	_ =	shalt  }
0x44: {  	_ =	shalt  }
0x45: {  	_ =	shalt  }
0x46: {  	_ =	shalt  }
0x47: {  	_ =	shalt  }
0x48: {  	_ =	shalt  }
0x49: {  	_ =	shalt  }
0x4a: {  	_ =	shalt  }
0x4b: {  	_ =	shalt  }
0x4c: {  	_ =	shalt  }
0x4d: {  	_ =	shalt  }
0x4e: {  	_ =	shalt  }
0x4f: {  	_ =	shalt  }
0x50: {  	_ =	shalt  }
0x51: {  	_ =	shalt  }
0x52: {  	_ =	shalt  }
0x53: {  	_ =	shalt  }
0x54: {  	_ =	shalt  }
0x55: {  	_ =	shalt  }
0x56: {  	_ =	shalt  }
0x57: {  	_ =	shalt  }
0x58: {  	_ =	shalt  }
0x59: {  	_ =	shalt  }
0x5a: {  	_ =	shalt  }
0x5b: {  	_ =	shalt  }
0x5c: {  	_ =	shalt  }
0x5d: {  	_ =	shalt  }
0x5e: {  	_ =	shalt  }
0x5f: {  	_ =	shalt  }
0x60: {  	_ =	shalt  }
0x61: {  	_ =	shalt  }
0x62: {  	_ =	shalt  }
0x63: {  	_ =	shalt  }
0x64: {  	_ =	shalt  }
0x65: {  	_ =	shalt  }
0x66: {  	_ =	shalt  }
0x67: {  	_ =	shalt  }
0x68: {  	_ =	shalt  }
0x69: {  	_ =	shalt  }
0x6a: {  	_ =	shalt  }
0x6b: {  	_ =	shalt  }
0x6c: {  	_ =	shalt  }
0x6d: {  	_ =	shalt  }
0x6e: {  	_ =	shalt  }
0x6f: {  	_ =	shalt  }
0x70: {  	_ =	shalt  }
0x71: {  	_ =	shalt  }
0x72: {  	_ =	shalt  }
0x73: {  	_ =	shalt  }
0x74: {  	_ =	shalt  }
0x75: {  	_ =	shalt  }
0x76: {  	_ =	shalt  }
0x77: {  	_ =	shalt  }
0x78: {  	_ =	shalt  }
0x79: {  	_ =	shalt  }
0x7a: {  	_ =	shalt  }
0x7b: {  	_ =	shalt  }
0x7c: {  	_ =	shalt  }
0x7d: {  	_ =	shalt  }
0x7e: {  	_ =	shalt  }
0x7f: {  	_ =	shalt  }
0x80: {  	_ =	shalt  }
0x81: {  	_ =	shalt  }
0x82: {  	_ =	shalt  }
0x83: {  	_ =	shalt  }
0x84: {  	_ =	shalt  }
0x85: {  	_ =	shalt  }
0x86: {  	_ =	shalt  }
0x87: {  	_ =	shalt  }
.Lfunc_end0:
.L_simem_size_0:
called_computation_lowered:
.L_overlay_start_0:
0x88: {  	s2 =	sld [smem:$0x3FD9]  }
0x89: {  	s3 =	sld [smem:$0x3FFE];
	_ =	sdelay $0x1  }
0x8a: {  	s1 =	srdreg.scid  }
0x8b: {  	s0 =	sand.u32 $0x1, s1  }
0x8c: {  	s14 =	sshll.u32 s0, $0xA;
	s2 =	sadd.s32 s3, s2  }
0x8d: {  	s2 =	sadd.s32 s2, s14  }
0x8e: {  	[smem:$0x3FBA] =	sst s2  }
0x8f: {  	_ = 	snop  }
0x90: {  	s2 =	sld [smem:$0x3FD0];
	_ =	sdelay $0x2  }
0x91: {  	s15 =	simm.s32 $0xA;
	s4 =	simm.s32 $0x10  }
0x92: {  	[smem:s4], [sflag:s15] =	dma.local [hbm:s2], $0x1  }
0x93: {  	_ =	swait.eq [sflag:s15], $0x1  }
0x94: {  	[sflag:s15] =	ssyncset.done $0x0  }
0x95: {  	[sflag:s15] =	ssyncadd.s32 $0xFFFFFFFF  }
0x96: {  	s16 =	sld [smem:$0x11];
	(tm) =	ssettm $0x1  }
0x97: {  	s17 =	sld [smem:$0x3FFB];
	_ =	sdelay $0x3  }
0x98: {  	_ =	strace s17  }
0x99: {  	s3 =	sld [smem:$0x3FFC];
	_ =	sdelay $0x3  }
0x9a: {  	_ =	strace s3  }
0x9b: {  	s3 =	sld [smem:$0x3FFD];
	_ =	sdelay $0x3  }
0x9c: {  	_ =	strace s3  }
0x9d: {  	_ =	strace $0x8FFFFFFF  }
0x9e: {  	s18 =	sld [smem:$0x3FDB];
	_ =	sdelay $0x1  }
0x9f: {  	s19 =	simm.s32 $_scs_section_size  }
0xa0: {  	s5 =	simm.s32 $_size__tile_overlayer_lowered;
	s6 =	simm.s32 $_tile_overlayer_lowered  }
0xa1: {  	s22 =	simm.s32 $0x1BFF;
	s21 =	sshll.u32 s6, $0x1;
	s3 =	sadd.s32 s19, s18  }
0xa2: {  	s7 =	simm.s32 $0x0;
	s20 =	sshll.u32 s5, $0x1;
	s5 =	sadd.s32 s21, s3  }
0xa3: {  	[timem:s7], [sflag:s22] =	dma.local [hbm:s5], s20  }
0xa4: {  	_ =	swait.ge [sflag:s22], s20  }
0xa5: {  	s4 =	ssub.s32 $0x0, s20;
	[sflag:s22] =	ssyncset.done $0x0  }
0xa6: {  	[sflag:s22] =	ssyncadd.s32 s4;
	_ =	sdelay $0x1  }
0xa7: {  	s23 =	simm.s32 $0x1B8B  }
0xa8: {  	_ =	swait.ge [sflag:s23], $0x1  }
0xa9: {  	[sflag:s23] =	ssyncset.done $0x0  }
0xaa: {  	s25 =	simm.s32 $0x1B8E;
	s24 =	sld [smem:$0x3FFE];
	[sflag:s23] =	ssyncadd.s32 $0xFFFFFFFF  }
0xab: {  	s26 =	simm.s32 $execute0_lowered;
	[smem:$0x3FD2] =	sst s25  }
0xac: {  	s5 =	sshll.u32 s26, $0x1;
	_ =	strace $0x80000046;
	[dreg:$0x1] =	wrdreg $0xFFFFFFFF  }
0xad: {  	s28 =	simm.s32 $_size_execute0_lowered;
	s3 =	sadd.s32 s3, s5;
	[dreg:$0x0] =	wrdreg $0x0  }
0xae: {  	s5 =	sshll.u32 s28, $0x1;
	[dreg:$0x2] =	wrdreg s3  }
0xaf: {  	[dreg:$0x3] =	wrdreg s5  }
0xb0: {  	[dreg:$0x4] =	wrdreg $0xC0  }
0xb1: {  	_ =	task [dreg:s7], $0x5FFFF  }
0xb2: {  	[dreg:$0x1] =	wrdreg $0xFFFFFFFF  }
0xb3: {  	[dreg:$0x0] =	wrdreg $0x60  }
0xb4: {  	[dreg:$0x2] =	wrdreg s24  }
0xb5: {  	[dreg:$0x3] =	wrdreg s16  }
0xb6: {  	[dreg:$0x4] =	wrdreg $0x9  }
0xb7: {  	_ =	task.clear_ibuf [dreg:s7], $0x5FFFF;
	_ =	strace $0x90000046  }
0xb8: {  	s29 =	simm.s32 $0x9;
	_ =	strace $0x80000048  }
0xb9: {  	_ =	swait.ge [sflag:s29], $0x1  }
0xba: {  	[sflag:s29] =	ssyncadd.s32 $0xFFFFFFFF  }
0xbb: {  	_ =	strace $0x90000048  }
0xbc: {  	_ =	sfence  }
0xbd: {  	s30 =	sld [smem:$0x0];
	_ =	sdelay $0x2  }
0xbe: {  	s31 =	sshll.u32 s1, $0xD;
	s1 =	sshrl.u32 s1, $0x2  }
0xbf: {  	s3 =	sand.u32 $0x4000, s31;
	s1 =	sadd.s32 s1, s30  }
0xc0: {  	s0 =	sor.u32 s3, s0;
	s1 =	sshll.u32 s1, $0x11  }
0xc1: {  	s0 =	sor.u32 s1, s0  }
0xc2: {  	s0 =	sadd.s32 $0x8F2B, s0  }
0xc3: {  	[sflag:s0] =	ssyncadd.remote.s32 $0x1  }
0xc4: {  	_ =	sfence.sel $0xFFFF  }
0xc5: {  	[dreg:$0x0] =	wrdreg $0xFFFFFFFF;
	(pc) =	sbr.abs _section_cstart, $3  }
0xc6: {  	[dreg:$0x1] =	wrdreg $0xFFFFFFFF  }
0xc7: {  	_ =	task.clear_ibuf [dreg:s7], $0x2FFFF;
	_ =	strace $0x9FFFFFFF  }
0xc8: {  	(tm) =	ssettm $0x7FFFFFFF  }
0xc9: {  	_ =	shalt  }
tec
execute0_lowered:
.L_overlay_start_1:
0x0: {  	(tag) =	ssettag $0x1  }
0x1: {  	s4 =	rddreg [dreg:$0x0]  }
0x2: {  	s5 =	rddreg [dreg:$0x1]  }
0x3: {  	s0 =	rddreg [dreg:$0x2]  }
0x4: {  	s2 =	simm.s32 $0x0;
	s1 =	stileid.u32;
	s6 =	srdreg.scid  }
0x5: {  	s11 =	simm.s32 $0x100;
	s12 =	simm.s32 $0x9000;
	s13 =	simm.s32 $0x180  }
0x6: {  	s14 =	simm.s32 $0xD000;
	s15 =	simm.s32 $0x1;
	s16 =	simm.s32 $0x2  }
0x7: {  	s17 =	simm.s32 $0x3;
	s18 =	simm.s32 $0x4;
	s19 =	simm.s32 $0x5  }
0x8: {  	s20 =	simm.s32 $0x6;
	s21 =	simm.s32 $0x7;
	s22 =	simm.s32 $0x8  }
0x9: {  	s23 =	simm.s32 $0x0;
	[smem:$0x7FF] =	sst s2;
	s3 =	sadd.s32 $0x2000, s4  }
0xa: {  	s7 =	sshll.u32 s1, $0x11;
	s6 =	sand.u32 $0x1, s6;
	s9 =	sshll.u32 s1, $0xD  }
0xb: {  	_ =	strace $0x80000047;
	s8 =	ssub.s32 $0x2, s6;
	s10 =	sshll.u32 s6, $0xC  }
.Ltmp0:
0xc: {  	s7 =	sadd.s32 s7, s4;
	s6 =	sshll.u32 s6, $0x10;
	(pc) =	sbr.rel .LBB2_1-.Ltmp0, $4  }
0xd: {  	s30 =	sshrl.u32 s8, $0x1;
	s9 =	sor.u32 s10, s9;
	s6 =	sadd.s32 s6, s7  }
0xe: {  	s7 =	simm.s32 $0x9;
	s10 =	simm.s32 $0x5000;
	s8 =	ssub.s32 s8, s30  }
0xf: {  	s31 =	sshrl.u32 s9, $0x3;
	s6 =	sadd.s32 $0x43800, s6;
	s9 =	simm.s32 $0x1000  }
0x10: {  	s4 =	sadd.s32 s5, s31;
	s5 =	smax.u32 s8, $0x1;
	s8 =	simm.s32 $0x80  }
.LBB2_4:
0x11: {  	_ =	swait.ge [sflag:s20], $0x4000  }
0x12: {  	[sflag:s20] =	ssyncset.done $0x0  }
0x13: {  	s23 =	sadd.s32 $0x1, s23;
	[sflag:s20] =	ssyncadd.s32 $0xFFFFC000  }
0x14: {  	p0 =	sne.s32 s23, s5;
	_ =	swait.ge [sflag:s21], $0x4000  }
.Ltmp1:
0x15: {  	[sflag:s21] =	ssyncset.done $0x0;
	(pc) =	sbr.rel @!p0 .LBB2_5-.Ltmp1, $4  }
0x16: {  	[sflag:s21] =	ssyncadd.s32 $0xFFFFC000  }
0x17: {  	_ =	swait.ge [sflag:s22], $0x4000  }
0x18: {  	[sflag:s22] =	ssyncset.done $0x0  }
0x19: {  	[sflag:s22] =	ssyncadd.s32 $0xFFFFC000  }
.LBB2_1:
0x1a: {  	[tilespmem:s2], [sflag:$0x9] =	stream.linear.gather [hbm4b:s4+s2], $0x1000, $0x38;
	[tilespmem:$0x11000] =	vst v63  }
0x1b: {  	_ =	swait.ge [sflag:s7], $0x1000  }
0x1c: {  	[sflag:s7] =	ssyncset.done $0x0  }
0x1d: {  	[sflag:s7] =	ssyncadd.s32 $0xFFFFF000  }
0x1e: {  	[tilespmem:s9], [sflag:$0x1] =	stream.indirect.gather [hbm4b:s3+s8], $0x80, s2, s8, $0xb8;
	[tilespmem:$0x11000] =	vst v63  }
0x1f: {  	_ = 	snop  }
0x20: {  	[tilespmem:s10], [sflag:$0x2] =	stream.indirect.gather [hbm4b:s3+s8], $0x80, s8, s8, $0xb8;
	[tilespmem:$0x11000] =	vst v63  }
0x21: {  	_ = 	snop  }
0x22: {  	[tilespmem:s12], [sflag:$0x3] =	stream.indirect.gather [hbm4b:s3+s8], $0x80, s11, s8, $0xb8;
	[tilespmem:$0x11000] =	vst v63  }
0x23: {  	s24 =	smov.u32 s6;
	s25 =	simm.s32 $0x0  }
0x24: {  	[tilespmem:s14], [sflag:$0x4] =	stream.indirect.gather [hbm4b:s3+s8], $0x80, s13, s8, $0xb8;
	[tilespmem:$0x11000] =	vst v63  }
.LBB2_2:
0x25: {  	_ =	swait.ge [sflag:s15], $0x4000  }
0x26: {  	[sflag:s15] =	ssyncset.done $0x0  }
0x27: {  	s26 =	sadd.s32 $0xFFFFE800, s24;
	[sflag:s15] =	ssyncadd.s32 $0xFFFFC000  }
0x28: {  	[hbm4b:s26+s2] =	stream.linear.scatter [tilespmem:s9], [sflag:$0x5], $0x4000, $0x38;
	[tilespmem:$0x11000] =	vst v63  }
0x29: {  	_ =	swait.ge [sflag:s16], $0x4000  }
0x2a: {  	[sflag:s16] =	ssyncset.done $0x0  }
0x2b: {  	s30 =	sadd.s32 $0xFFFFF000, s24;
	[sflag:s16] =	ssyncadd.s32 $0xFFFFC000  }
0x2c: {  	[hbm4b:s30+s2] =	stream.linear.scatter [tilespmem:s10], [sflag:$0x6], $0x4000, $0x38;
	[tilespmem:$0x11000] =	vst v63  }
0x2d: {  	_ =	swait.ge [sflag:s17], $0x4000  }
0x2e: {  	[sflag:s17] =	ssyncset.done $0x0  }
0x2f: {  	s31 =	sadd.s32 $0xFFFFF800, s24;
	[sflag:s17] =	ssyncadd.s32 $0xFFFFC000  }
0x30: {  	[hbm4b:s31+s2] =	stream.linear.scatter [tilespmem:s12], [sflag:$0x7], $0x4000, $0x38;
	[tilespmem:$0x11000] =	vst v63  }
0x31: {  	_ =	swait.ge [sflag:s18], $0x4000  }
0x32: {  	p0 =	seq.s32 s25, $0x3800;
	[sflag:s18] =	ssyncset.done $0x0  }
.Ltmp2:
0x33: {  	[sflag:s18] =	ssyncadd.s32 $0xFFFFC000;
	(pc) =	sbr.rel @p0 .LBB2_4-.Ltmp2, $4  }
0x34: {  	[hbm4b:s24+s2] =	stream.linear.scatter [tilespmem:s14], [sflag:$0x8], $0x4000, $0x38;
	[tilespmem:$0x11000] =	vst v63  }
0x35: {  	_ =	swait.ge [sflag:s19], $0x4000  }
0x36: {  	[sflag:s19] =	ssyncset.done $0x0  }
0x37: {  	[sflag:s19] =	ssyncadd.s32 $0xFFFFC000  }
0x38: {  	s26 =	sshra.s32 s25, $0x2  }
0x39: {  	s28 =	sadd.s32 $0x200, s26  }
0x3a: {  	[tilespmem:s9], [sflag:$0x1] =	stream.indirect.gather [hbm4b:s3+s8], $0x80, s28, s8, $0xb8;
	[tilespmem:$0x11000] =	vst v63  }
0x3b: {  	_ =	swait.ge [sflag:s20], $0x4000  }
0x3c: {  	[sflag:s20] =	ssyncset.done $0x0  }
0x3d: {  	s30 =	sadd.s32 $0x280, s26;
	[sflag:s20] =	ssyncadd.s32 $0xFFFFC000  }
0x3e: {  	[tilespmem:s10], [sflag:$0x2] =	stream.indirect.gather [hbm4b:s3+s8], $0x80, s30, s8, $0xb8;
	[tilespmem:$0x11000] =	vst v63  }
0x3f: {  	_ =	swait.ge [sflag:s21], $0x4000  }
0x40: {  	[sflag:s21] =	ssyncset.done $0x0  }
0x41: {  	s31 =	sadd.s32 $0x300, s26;
	[sflag:s21] =	ssyncadd.s32 $0xFFFFC000  }
0x42: {  	[tilespmem:s12], [sflag:$0x3] =	stream.indirect.gather [hbm4b:s3+s8], $0x80, s31, s8, $0xb8;
	[tilespmem:$0x11000] =	vst v63  }
.Ltmp3:
0x43: {  	_ = 	snop;
	(pc) =	sbr.rel .LBB2_2-.Ltmp3, $4  }
0x44: {  	_ =	swait.ge [sflag:s22], $0x4000  }
0x45: {  	s25 =	sadd.s32 $0x800, s25;
	[sflag:s22] =	ssyncset.done $0x0  }
0x46: {  	s24 =	sadd.s32 $0x2000, s24;
	s26 =	sadd.s32 $0x380, s26;
	[sflag:s22] =	ssyncadd.s32 $0xFFFFC000  }
0x47: {  	[tilespmem:s14], [sflag:$0x4] =	stream.indirect.gather [hbm4b:s3+s8], $0x80, s26, s8, $0xb8;
	[tilespmem:$0x11000] =	vst v63  }
.LBB2_5:
0x48: {  	_ =	sfence.sel $0x180000  }
0x49: {  	[bflag:$0x0] =	sbarrier.arrive $0xFFFF  }
0x4a: {  	p0 =	sne.s32 s1, $0x0;
	_ =	strace $0x90000047  }
0x4b: {  	s0 =	sadd.s32 @!p0 $0x100000, s0;
	[bflag:$0x2] =	sbarrier.arrive $0xFFFF  }
0x4c: {  	[sflag:s0] =	ssyncadd.tile.s32 @!p0 $0x1;
	_ =	shalt  }
.Lfunc_end2:
_tile_overlayer_lowered:
.L_overlay_start_2:
0x4d: {  	(tag) =	ssettag $0x2  }
0x4e: {  	s0 =	rddreg [dreg:$0x0];
	s2 =	stileid.u32  }
0x4f: {  	s1 =	rddreg [dreg:$0x1];
	p0 =	sne.s32 s2, $0x0  }
0x50: {  	s3 =	rddreg [dreg:$0x2];
	[bflag:$0x3] =	sbarrier.arrive $0xFFFF;
	s2 =	simm.s32 @!p0 $0x1C09  }
0x51: {  	[timem:s3], [sflag:s2] =	dma.local @!p0 [hbm:s0], s1  }
0x52: {  	s0 =	simm.s32 @!p0 $0x9  }
0x53: {  	_ =	swait.ge @!p0 [sflag:s0], s1  }
0x54: {  	s1 =	ssub.s32 @!p0 $0x0, s1;
	[sflag:s0] =	ssyncset.done @!p0 $0x0  }
0x55: {  	[sflag:s0] =	ssyncadd.s32 @!p0 s1  }
0x56: {  	[bflag:$0x3] =	sbarrier.arrive $0xFFFF  }
0x57: {  	_ =	shalt  }

</sc_bundles>
